<compile_context>
chip_gen: v7x
topology: tpu7x:2x2x1
jax: 0.10.2.dev20260603
libtpu: 0.0.44.dev20260713+nightly
codegen_flags: <defaults>
</compile_context>

<pallas_src>
import functools

import jax
import jax.numpy as jnp
from jax import lax
from jax.experimental import pallas as pl
from jax.experimental.pallas import tpu as pltpu
from jax.experimental.pallas import tpu_sc as plsc

NC = 2
NS = 16
L = 16
NW = NC * NS
B = 16384
F = 128
BPW = B // NW
CHUNK = 128
NCHUNK = BPW // CHUNK

_mesh = plsc.VectorSubcoreMesh(
    core_axis_name="c", subcore_axis_name="s", num_cores=NC, num_subcores=NS
)


@functools.partial(
    pl.kernel,
    mesh=_mesh,
    out_type=jax.ShapeDtypeStruct((B,), jnp.float32),
    compiler_params=pltpu.CompilerParams(needs_layout_passes=False),
    scratch_types=[
        pltpu.VMEM((BPW,), jnp.int32),
        pltpu.VMEM((BPW,), jnp.int32),
        pltpu.VMEM((CHUNK, F), jnp.float32),
        pltpu.VMEM((CHUNK, F), jnp.float32),
        pltpu.VMEM((CHUNK, F), jnp.float32),
        pltpu.VMEM((CHUNK, F), jnp.float32),
        pltpu.VMEM((BPW + L,), jnp.float32),
        pltpu.SemaphoreType.DMA,
        pltpu.SemaphoreType.DMA,
        pltpu.SemaphoreType.DMA,
        pltpu.SemaphoreType.DMA,
    ],
)
def _mf_kernel(user_hbm, item_hbm, uf_hbm, if_hbm, out_hbm,
               uidx, iidx, urows0, urows1, vrows0, vrows1, outv,
               semu0, semu1, semv0, semv1):
    wid = lax.axis_index("s") * NC + lax.axis_index("c")
    base = wid * BPW
    ci_u = pltpu.async_copy(user_hbm.at[pl.ds(base, BPW)], uidx, semu1)
    ci_v = pltpu.async_copy(item_hbm.at[pl.ds(base, BPW)], iidx, semv1)
    ci_u.wait()
    ci_v.wait()

    iota = lax.iota(jnp.int32, L)
    ubufs = (urows0, urows1)
    vbufs = (vrows0, vrows1)
    usems = (semu0, semu1)
    vsems = (semv0, semv1)

    def start(c):
        b = c % 2
        cu = pltpu.async_copy(uf_hbm.at[uidx.at[pl.ds(c * CHUNK, CHUNK)]], ubufs[b], usems[b])
        cv = pltpu.async_copy(if_hbm.at[iidx.at[pl.ds(c * CHUNK, CHUNK)]], vbufs[b], vsems[b])
        return cu, cv

    handles = {0: start(0)}
    for c in range(NCHUNK):
        if c + 1 < NCHUNK:
            handles[(c + 1) % 2] = start(c + 1)
        cu, cv = handles[c % 2]
        cu.wait()
        cv.wait()
        urows = ubufs[c % 2]
        vrows = vbufs[c % 2]
        mask_last = iota == (L - 1)

        def do_row(r, carry2, urows=urows, vrows=vrows, c=c):
            acc = urows[r, pl.ds(0, L)] * vrows[r, pl.ds(0, L)]
            for j in range(1, F // L):
                acc = acc + urows[r, pl.ds(j * L, L)] * vrows[r, pl.ds(j * L, L)]
            plsc.store_compressed(outv.at[pl.ds(c * CHUNK + r, L)],
                                  jnp.cumsum(acc), mask=mask_last)
            return carry2

        lax.fori_loop(0, CHUNK, do_row, 0)

    pltpu.sync_copy(outv.at[pl.ds(0, BPW)], out_hbm.at[pl.ds(base, BPW)])


def kernel(user, item, user_factors, item_factors):
    return _mf_kernel(user.astype(jnp.int32), item.astype(jnp.int32),
                      user_factors, item_factors)

# --- scband reference (transcript-rebuilt; emitter-appended) ---
"""Pipeline reference for scband-matrix-factorization-17841294148310 (READ-ONLY COPY).

The authoritative reference and input builder live on the scoring server;
editing this copy changes nothing except your own understanding.
"""

import jax, jax.numpy as jnp
import numpy as np

N_USERS = 1000000
N_ITEMS = 100000
N_FACTORS = 128
BATCH = 16384

def setup_inputs(seed: int = 0) -> dict:
    key = jax.random.key(seed)
    k1, k2, k3, k4 = jax.random.split(key, 4)
    user = jax.random.randint(k1, (BATCH,), 0, N_USERS, dtype=jnp.int64 if jax.config.jax_enable_x64 else jnp.int32)
    item = jax.random.randint(k2, (BATCH,), 0, N_ITEMS, dtype=jnp.int64 if jax.config.jax_enable_x64 else jnp.int32)
    user_factors = jax.random.normal(k3, (N_USERS, N_FACTORS), dtype=jnp.float32)
    item_factors = jax.random.normal(k4, (N_ITEMS, N_FACTORS), dtype=jnp.float32)
    return {"user": user, "item": item, "user_factors": user_factors, "item_factors": item_factors}

def reference(user, item, user_factors, item_factors):
    # Faithful translation of MatrixFactorization.forward:
    # (self.user_factors(user) * self.item_factors(item)).sum(1)
    u = jnp.take(user_factors, user, axis=0)  # embedding lookup [B, F]
    v = jnp.take(item_factors, item, axis=0)  # embedding lookup [B, F]
    return (u * v).sum(axis=1)  # [B]

if __name__ == "__main__":
    import jax
    _d = setup_inputs()
    print(jax.jit(kernel)(*tuple(_d.values())))

</pallas_src>

<mosaic_0001>
#map = affine_map<(d0, d1) -> (0)>
#map1 = affine_map<(d0, d1) -> (0, 0)>
module attributes {stable_mosaic.version = 14 : i64} {
  func.func @_mf_kernel(%arg0: i32, %arg1: i32, %arg2: memref<16384xi32, #tpu.memory_space<hbm>>, %arg3: memref<16384xi32, #tpu.memory_space<hbm>>, %arg4: memref<1000000x128xf32, #tpu.memory_space<hbm>>, %arg5: memref<100000x128xf32, #tpu.memory_space<hbm>>, %arg6: memref<16384xf32, #tpu.memory_space<hbm>>, %arg7: memref<512xi32, #tpu.memory_space<vmem>>, %arg8: memref<512xi32, #tpu.memory_space<vmem>>, %arg9: memref<128x128xf32, #tpu.memory_space<vmem>>, %arg10: memref<128x128xf32, #tpu.memory_space<vmem>>, %arg11: memref<128x128xf32, #tpu.memory_space<vmem>>, %arg12: memref<128x128xf32, #tpu.memory_space<vmem>>, %arg13: memref<528xf32, #tpu.memory_space<vmem>>, %arg14: memref<!tpu.dma_semaphore, #tpu.memory_space<semaphore_mem>>, %arg15: memref<!tpu.dma_semaphore, #tpu.memory_space<semaphore_mem>>, %arg16: memref<!tpu.dma_semaphore, #tpu.memory_space<semaphore_mem>>, %arg17: memref<!tpu.dma_semaphore, #tpu.memory_space<semaphore_mem>>) attributes {dimension_semantics = [#tpu.dimension_semantics<core_parallel>, #tpu.dimension_semantics<subcore_parallel>], iteration_bounds = array<i64: 2, 16>, scalar_prefetch = 0 : i64, scratch_operands = 11 : i64, tpu.core_type = #tpu.core_type<sc_vector_subcore>, window_params = [{transform_indices = #map}, {transform_indices = #map}, {transform_indices = #map1}, {transform_indices = #map1}, {transform_indices = #map}]} {
    %mul3A = arith.constant 2 : i32
    %mul3A_0 = arith.muli %arg1, %mul3A : i32
    %add3A = arith.addi %mul3A_0, %arg0 : i32
    %mul3A_1 = arith.constant 512 : i32
    %mul3A_2 = arith.muli %add3A, %mul3A_1 : i32
    %dma_start3A = tpu.memref_slice %arg2[%mul3A_2] : memref<16384xi32, #tpu.memory_space<hbm>> -> memref<512xi32, #tpu.memory_space<hbm>>
    %dma_start3A_3 = tpu.memref_slice %arg2[%mul3A_2] : memref<16384xi32, #tpu.memory_space<hbm>> -> memref<512xi32, #tpu.memory_space<hbm>>
    tpu.enqueue_dma source(%dma_start3A_3 : memref<512xi32, #tpu.memory_space<hbm>>) target(%arg7 : memref<512xi32, #tpu.memory_space<vmem>>) target_semaphore(%arg15 : memref<!tpu.dma_semaphore, #tpu.memory_space<semaphore_mem>>)
    %dma_start3A_4 = tpu.memref_slice %arg3[%mul3A_2] : memref<16384xi32, #tpu.memory_space<hbm>> -> memref<512xi32, #tpu.memory_space<hbm>>
    %dma_start3A_5 = tpu.memref_slice %arg3[%mul3A_2] : memref<16384xi32, #tpu.memory_space<hbm>> -> memref<512xi32, #tpu.memory_space<hbm>>
    tpu.enqueue_dma source(%dma_start3A_5 : memref<512xi32, #tpu.memory_space<hbm>>) target(%arg8 : memref<512xi32, #tpu.memory_space<vmem>>) target_semaphore(%arg17 : memref<!tpu.dma_semaphore, #tpu.memory_space<semaphore_mem>>)
    %dma_wait3A = tpu.memref_slice %arg2[%mul3A_2] : memref<16384xi32, #tpu.memory_space<hbm>> -> memref<512xi32, #tpu.memory_space<hbm>>
    %dma_wait3A_6 = tpu.memref_slice %arg2[%mul3A_2] : memref<16384xi32, #tpu.memory_space<hbm>> -> memref<512xi32, #tpu.memory_space<hbm>>
    tpu.wait_dma2 semaphore(%arg15 : memref<!tpu.dma_semaphore, #tpu.memory_space<semaphore_mem>>) src(%dma_wait3A_6 : memref<512xi32, #tpu.memory_space<hbm>>) dst(%arg7 : memref<512xi32, #tpu.memory_space<vmem>>)
    %dma_wait3A_7 = tpu.memref_slice %arg3[%mul3A_2] : memref<16384xi32, #tpu.memory_space<hbm>> -> memref<512xi32, #tpu.memory_space<hbm>>
    %dma_wait3A_8 = tpu.memref_slice %arg3[%mul3A_2] : memref<16384xi32, #tpu.memory_space<hbm>> -> memref<512xi32, #tpu.memory_space<hbm>>
    tpu.wait_dma2 semaphore(%arg17 : memref<!tpu.dma_semaphore, #tpu.memory_space<semaphore_mem>>) src(%dma_wait3A_8 : memref<512xi32, #tpu.memory_space<hbm>>) dst(%arg8 : memref<512xi32, #tpu.memory_space<vmem>>)
    %iota3A = tpu.iota {dimensions = array<i32: 0>} : vector<16xi32>
    %dma_start3A_9 = arith.constant 0 : i32
    %dma_start3A_10 = tpu.memref_slice %arg7[%dma_start3A_9] : memref<512xi32, #tpu.memory_space<vmem>> -> memref<128xi32, #tpu.memory_space<vmem>>
    %dma_start3A_11 = arith.constant 0 : i32
    %dma_start3A_12 = arith.constant 0 : i32
    %dma_start3A_13 = tpu.memref_slice %arg4[%dma_start3A_11, %dma_start3A_12] : memref<1000000x128xf32, #tpu.memory_space<hbm>> -> memref<1000000x128xf32, #tpu.memory_space<hbm>>
    tpu.enqueue_indirect_dma source(%dma_start3A_13 : memref<1000000x128xf32, #tpu.memory_space<hbm>>) target(%arg9 : memref<128x128xf32, #tpu.memory_space<vmem>>) offsets(%dma_start3A_10 : memref<128xi32, #tpu.memory_space<vmem>>) semaphore(%arg14 : memref<!tpu.dma_semaphore, #tpu.memory_space<semaphore_mem>>)
    %dma_start3A_14 = arith.constant 0 : i32
    %dma_start3A_15 = tpu.memref_slice %arg8[%dma_start3A_14] : memref<512xi32, #tpu.memory_space<vmem>> -> memref<128xi32, #tpu.memory_space<vmem>>
    %dma_start3A_16 = arith.constant 0 : i32
    %dma_start3A_17 = arith.constant 0 : i32
    %dma_start3A_18 = tpu.memref_slice %arg5[%dma_start3A_16, %dma_start3A_17] : memref<100000x128xf32, #tpu.memory_space<hbm>> -> memref<100000x128xf32, #tpu.memory_space<hbm>>
    tpu.enqueue_indirect_dma source(%dma_start3A_18 : memref<100000x128xf32, #tpu.memory_space<hbm>>) target(%arg11 : memref<128x128xf32, #tpu.memory_space<vmem>>) offsets(%dma_start3A_15 : memref<128xi32, #tpu.memory_space<vmem>>) semaphore(%arg16 : memref<!tpu.dma_semaphore, #tpu.memory_space<semaphore_mem>>)
    %dma_start3A_19 = arith.constant 128 : i32
    %dma_start3A_20 = tpu.memref_slice %arg7[%dma_start3A_19] : memref<512xi32, #tpu.memory_space<vmem>> -> memref<128xi32, #tpu.memory_space<vmem>>
    %dma_start3A_21 = arith.constant 0 : i32
    %dma_start3A_22 = arith.constant 0 : i32
    %dma_start3A_23 = tpu.memref_slice %arg4[%dma_start3A_21, %dma_start3A_22] : memref<1000000x128xf32, #tpu.memory_space<hbm>> -> memref<1000000x128xf32, #tpu.memory_space<hbm>>
    tpu.enqueue_indirect_dma source(%dma_start3A_23 : memref<1000000x128xf32, #tpu.memory_space<hbm>>) target(%arg10 : memref<128x128xf32, #tpu.memory_space<vmem>>) offsets(%dma_start3A_20 : memref<128xi32, #tpu.memory_space<vmem>>) semaphore(%arg15 : memref<!tpu.dma_semaphore, #tpu.memory_space<semaphore_mem>>)
    %dma_start3A_24 = arith.constant 128 : i32
    %dma_start3A_25 = tpu.memref_slice %arg8[%dma_start3A_24] : memref<512xi32, #tpu.memory_space<vmem>> -> memref<128xi32, #tpu.memory_space<vmem>>
    %dma_start3A_26 = arith.constant 0 : i32
    %dma_start3A_27 = arith.constant 0 : i32
    %dma_start3A_28 = tpu.memref_slice %arg5[%dma_start3A_26, %dma_start3A_27] : memref<100000x128xf32, #tpu.memory_space<hbm>> -> memref<100000x128xf32, #tpu.memory_space<hbm>>
    tpu.enqueue_indirect_dma source(%dma_start3A_28 : memref<100000x128xf32, #tpu.memory_space<hbm>>) target(%arg12 : memref<128x128xf32, #tpu.memory_space<vmem>>) offsets(%dma_start3A_25 : memref<128xi32, #tpu.memory_space<vmem>>) semaphore(%arg17 : memref<!tpu.dma_semaphore, #tpu.memory_space<semaphore_mem>>)
    %dma_wait3A_29 = arith.constant 0 : i32
    %dma_wait3A_30 = tpu.memref_slice %arg7[%dma_wait3A_29] : memref<512xi32, #tpu.memory_space<vmem>> -> memref<128xi32, #tpu.memory_space<vmem>>
    %dma_wait3A_31 = arith.constant 0 : i32
    %dma_wait3A_32 = arith.constant 0 : i32
    %dma_wait3A_33 = tpu.memref_slice %arg4[%dma_wait3A_31, %dma_wait3A_32] : memref<1000000x128xf32, #tpu.memory_space<hbm>> -> memref<1000000x128xf32, #tpu.memory_space<hbm>>
    tpu.wait_indirect_dma semaphore(%arg14 : memref<!tpu.dma_semaphore, #tpu.memory_space<semaphore_mem>>) src(%dma_wait3A_33 : memref<1000000x128xf32, #tpu.memory_space<hbm>>) dst(%arg9 : memref<128x128xf32, #tpu.memory_space<vmem>>)
    %dma_wait3A_34 = arith.constant 0 : i32
    %dma_wait3A_35 = tpu.memref_slice %arg8[%dma_wait3A_34] : memref<512xi32, #tpu.memory_space<vmem>> -> memref<128xi32, #tpu.memory_space<vmem>>
    %dma_wait3A_36 = arith.constant 0 : i32
    %dma_wait3A_37 = arith.constant 0 : i32
    %dma_wait3A_38 = tpu.memref_slice %arg5[%dma_wait3A_36, %dma_wait3A_37] : memref<100000x128xf32, #tpu.memory_space<hbm>> -> memref<100000x128xf32, #tpu.memory_space<hbm>>
    tpu.wait_indirect_dma semaphore(%arg16 : memref<!tpu.dma_semaphore, #tpu.memory_space<semaphore_mem>>) src(%dma_wait3A_38 : memref<100000x128xf32, #tpu.memory_space<hbm>>) dst(%arg11 : memref<128x128xf32, #tpu.memory_space<vmem>>)
    %eq3A = arith.constant 15 : i32
    %eq3A_39 = vector.broadcast %eq3A : i32 to vector<16xi32>
    %eq3A_40 = arith.cmpi eq, %iota3A, %eq3A_39 : vector<16xi32>
    %scan3A = arith.constant 0 : i32
    %scan3A_41 = arith.constant 0 : i32
    %scan3A_42 = arith.constant 128 : i32
    %scan3A_43 = arith.addi %scan3A_41, %scan3A_42 : i32
    %scan3A_44 = arith.constant 1 : i32
    scf.for %scan3A_123 = %scan3A_41 to %scan3A_43 step %scan3A_44  : i32 {
      %get3A = arith.index_cast %scan3A_123 : i32 to index
      %get3A_124 = arith.constant 0 : index
      %get3A_125 = tpu.vector_load %arg9[%get3A, %get3A_124] {strides = array<i32>} : memref<128x128xf32, #tpu.memory_space<vmem>>, vector<16xf32>,
      %get3A_126 = arith.index_cast %scan3A_123 : i32 to index
      %get3A_127 = arith.constant 0 : index
      %get3A_128 = tpu.vector_load %arg11[%get3A_126, %get3A_127] {strides = array<i32>} : memref<128x128xf32, #tpu.memory_space<vmem>>, vector<16xf32>,
      %mul3A_129 = arith.mulf %get3A_125, %get3A_128 : vector<16xf32>
      %get3A_130 = arith.index_cast %scan3A_123 : i32 to index
      %get3A_131 = arith.constant 16 : index
      %get3A_132 = tpu.vector_load %arg9[%get3A_130, %get3A_131] {strides = array<i32>} : memref<128x128xf32, #tpu.memory_space<vmem>>, vector<16xf32>,
      %get3A_133 = arith.index_cast %scan3A_123 : i32 to index
      %get3A_134 = arith.constant 16 : index
      %get3A_135 = tpu.vector_load %arg11[%get3A_133, %get3A_134] {strides = array<i32>} : memref<128x128xf32, #tpu.memory_space<vmem>>, vector<16xf32>,
      %mul3A_136 = arith.mulf %get3A_132, %get3A_135 : vector<16xf32>
      %add3A_137 = arith.addf %mul3A_129, %mul3A_136 : vector<16xf32>
      %get3A_138 = arith.index_cast %scan3A_123 : i32 to index
      %get3A_139 = arith.constant 32 : index
      %get3A_140 = tpu.vector_load %arg9[%get3A_138, %get3A_139] {strides = array<i32>} : memref<128x128xf32, #tpu.memory_space<vmem>>, vector<16xf32>,
      %get3A_141 = arith.index_cast %scan3A_123 : i32 to index
      %get3A_142 = arith.constant 32 : index
      %get3A_143 = tpu.vector_load %arg11[%get3A_141, %get3A_142] {strides = array<i32>} : memref<128x128xf32, #tpu.memory_space<vmem>>, vector<16xf32>,
      %mul3A_144 = arith.mulf %get3A_140, %get3A_143 : vector<16xf32>
      %add3A_145 = arith.addf %add3A_137, %mul3A_144 : vector<16xf32>
      %get3A_146 = arith.index_cast %scan3A_123 : i32 to index
      %get3A_147 = arith.constant 48 : index
      %get3A_148 = tpu.vector_load %arg9[%get3A_146, %get3A_147] {strides = array<i32>} : memref<128x128xf32, #tpu.memory_space<vmem>>, vector<16xf32>,
      %get3A_149 = arith.index_cast %scan3A_123 : i32 to index
      %get3A_150 = arith.constant 48 : index
      %get3A_151 = tpu.vector_load %arg11[%get3A_149, %get3A_150] {strides = array<i32>} : memref<128x128xf32, #tpu.memory_space<vmem>>, vector<16xf32>,
      %mul3A_152 = arith.mulf %get3A_148, %get3A_151 : vector<16xf32>
      %add3A_153 = arith.addf %add3A_145, %mul3A_152 : vector<16xf32>
      %get3A_154 = arith.index_cast %scan3A_123 : i32 to index
      %get3A_155 = arith.constant 64 : index
      %get3A_156 = tpu.vector_load %arg9[%get3A_154, %get3A_155] {strides = array<i32>} : memref<128x128xf32, #tpu.memory_space<vmem>>, vector<16xf32>,
      %get3A_157 = arith.index_cast %scan3A_123 : i32 to index
      %get3A_158 = arith.constant 64 : index
      %get3A_159 = tpu.vector_load %arg11[%get3A_157, %get3A_158] {strides = array<i32>} : memref<128x128xf32, #tpu.memory_space<vmem>>, vector<16xf32>,
      %mul3A_160 = arith.mulf %get3A_156, %get3A_159 : vector<16xf32>
      %add3A_161 = arith.addf %add3A_153, %mul3A_160 : vector<16xf32>
      %get3A_162 = arith.index_cast %scan3A_123 : i32 to index
      %get3A_163 = arith.constant 80 : index
      %get3A_164 = tpu.vector_load %arg9[%get3A_162, %get3A_163] {strides = array<i32>} : memref<128x128xf32, #tpu.memory_space<vmem>>, vector<16xf32>,
      %get3A_165 = arith.index_cast %scan3A_123 : i32 to index
      %get3A_166 = arith.constant 80 : index
      %get3A_167 = tpu.vector_load %arg11[%get3A_165, %get3A_166] {strides = array<i32>} : memref<128x128xf32, #tpu.memory_space<vmem>>, vector<16xf32>,
      %mul3A_168 = arith.mulf %get3A_164, %get3A_167 : vector<16xf32>
      %add3A_169 = arith.addf %add3A_161, %mul3A_168 : vector<16xf32>
      %get3A_170 = arith.index_cast %scan3A_123 : i32 to index
      %get3A_171 = arith.constant 96 : index
      %get3A_172 = tpu.vector_load %arg9[%get3A_170, %get3A_171] {strides = array<i32>} : memref<128x128xf32, #tpu.memory_space<vmem>>, vector<16xf32>,
      %get3A_173 = arith.index_cast %scan3A_123 : i32 to index
      %get3A_174 = arith.constant 96 : index
      %get3A_175 = tpu.vector_load %arg11[%get3A_173, %get3A_174] {strides = array<i32>} : memref<128x128xf32, #tpu.memory_space<vmem>>, vector<16xf32>,
      %mul3A_176 = arith.mulf %get3A_172, %get3A_175 : vector<16xf32>
      %add3A_177 = arith.addf %add3A_169, %mul3A_176 : vector<16xf32>
      %get3A_178 = arith.index_cast %scan3A_123 : i32 to index
      %get3A_179 = arith.constant 112 : index
      %get3A_180 = tpu.vector_load %arg9[%get3A_178, %get3A_179] {strides = array<i32>} : memref<128x128xf32, #tpu.memory_space<vmem>>, vector<16xf32>,
      %get3A_181 = arith.index_cast %scan3A_123 : i32 to index
      %get3A_182 = arith.constant 112 : index
      %get3A_183 = tpu.vector_load %arg11[%get3A_181, %get3A_182] {strides = array<i32>} : memref<128x128xf32, #tpu.memory_space<vmem>>, vector<16xf32>,
      %mul3A_184 = arith.mulf %get3A_180, %get3A_183 : vector<16xf32>
      %add3A_185 = arith.addf %add3A_177, %mul3A_184 : vector<16xf32>
      %add3A_186 = arith.constant 0 : i32
      %add3A_187 = arith.addi %add3A_186, %scan3A_123 : i32
      %cumsum3A = arith.constant true
      %cumsum3A_188 = vector.broadcast %cumsum3A : i1 to vector<16xi1>
      %cumsum3A_189 = tpu.scan <sum>, %add3A_185 masked %cumsum3A_188 : vector<16xf32>, vector<16xi1> -> vector<16xf32>
      %swap3A = arith.index_cast %add3A_187 : i32 to index
      %swap3A_190 = tpu.vector_load %arg13[%swap3A] masked %eq3A_40 {strides = array<i32>} : memref<528xf32, #tpu.memory_space<vmem>>, vector<16xf32>, vector<16xi1>
      tpu.vector_store %arg13[%swap3A], %cumsum3A_189 masked %eq3A_40 {strides = array<i32>} : memref<528xf32, #tpu.memory_space<vmem>>, vector<16xf32>, vector<16xi1>
    }
    %scan3A_45 = arith.constant 128 : i32
    %dma_start3A_46 = arith.constant 256 : i32
    %dma_start3A_47 = tpu.memref_slice %arg7[%dma_start3A_46] : memref<512xi32, #tpu.memory_space<vmem>> -> memref<128xi32, #tpu.memory_space<vmem>>
    %dma_start3A_48 = arith.constant 0 : i32
    %dma_start3A_49 = arith.constant 0 : i32
    %dma_start3A_50 = tpu.memref_slice %arg4[%dma_start3A_48, %dma_start3A_49] : memref<1000000x128xf32, #tpu.memory_space<hbm>> -> memref<1000000x128xf32, #tpu.memory_space<hbm>>
    tpu.enqueue_indirect_dma source(%dma_start3A_50 : memref<1000000x128xf32, #tpu.memory_space<hbm>>) target(%arg9 : memref<128x128xf32, #tpu.memory_space<vmem>>) offsets(%dma_start3A_47 : memref<128xi32, #tpu.memory_space<vmem>>) semaphore(%arg14 : memref<!tpu.dma_semaphore, #tpu.memory_space<semaphore_mem>>)
    %dma_start3A_51 = arith.constant 256 : i32
    %dma_start3A_52 = tpu.memref_slice %arg8[%dma_start3A_51] : memref<512xi32, #tpu.memory_space<vmem>> -> memref<128xi32, #tpu.memory_space<vmem>>
    %dma_start3A_53 = arith.constant 0 : i32
    %dma_start3A_54 = arith.constant 0 : i32
    %dma_start3A_55 = tpu.memref_slice %arg5[%dma_start3A_53, %dma_start3A_54] : memref<100000x128xf32, #tpu.memory_space<hbm>> -> memref<100000x128xf32, #tpu.memory_space<hbm>>
    tpu.enqueue_indirect_dma source(%dma_start3A_55 : memref<100000x128xf32, #tpu.memory_space<hbm>>) target(%arg11 : memref<128x128xf32, #tpu.memory_space<vmem>>) offsets(%dma_start3A_52 : memref<128xi32, #tpu.memory_space<vmem>>) semaphore(%arg16 : memref<!tpu.dma_semaphore, #tpu.memory_space<semaphore_mem>>)
    %dma_wait3A_56 = arith.constant 128 : i32
    %dma_wait3A_57 = tpu.memref_slice %arg7[%dma_wait3A_56] : memref<512xi32, #tpu.memory_space<vmem>> -> memref<128xi32, #tpu.memory_space<vmem>>
    %dma_wait3A_58 = arith.constant 0 : i32
    %dma_wait3A_59 = arith.constant 0 : i32
    %dma_wait3A_60 = tpu.memref_slice %arg4[%dma_wait3A_58, %dma_wait3A_59] : memref<1000000x128xf32, #tpu.memory_space<hbm>> -> memref<1000000x128xf32, #tpu.memory_space<hbm>>
    tpu.wait_indirect_dma semaphore(%arg15 : memref<!tpu.dma_semaphore, #tpu.memory_space<semaphore_mem>>) src(%dma_wait3A_60 : memref<1000000x128xf32, #tpu.memory_space<hbm>>) dst(%arg10 : memref<128x128xf32, #tpu.memory_space<vmem>>)
    %dma_wait3A_61 = arith.constant 128 : i32
    %dma_wait3A_62 = tpu.memref_slice %arg8[%dma_wait3A_61] : memref<512xi32, #tpu.memory_space<vmem>> -> memref<128xi32, #tpu.memory_space<vmem>>
    %dma_wait3A_63 = arith.constant 0 : i32
    %dma_wait3A_64 = arith.constant 0 : i32
    %dma_wait3A_65 = tpu.memref_slice %arg5[%dma_wait3A_63, %dma_wait3A_64] : memref<100000x128xf32, #tpu.memory_space<hbm>> -> memref<100000x128xf32, #tpu.memory_space<hbm>>
    tpu.wait_indirect_dma semaphore(%arg17 : memref<!tpu.dma_semaphore, #tpu.memory_space<semaphore_mem>>) src(%dma_wait3A_65 : memref<100000x128xf32, #tpu.memory_space<hbm>>) dst(%arg12 : memref<128x128xf32, #tpu.memory_space<vmem>>)
    %eq3A_66 = arith.constant 15 : i32
    %eq3A_67 = vector.broadcast %eq3A_66 : i32 to vector<16xi32>
    %eq3A_68 = arith.cmpi eq, %iota3A, %eq3A_67 : vector<16xi32>
    %scan3A_69 = arith.constant 0 : i32
    %scan3A_70 = arith.constant 0 : i32
    %scan3A_71 = arith.constant 128 : i32
    %scan3A_72 = arith.addi %scan3A_70, %scan3A_71 : i32
    %scan3A_73 = arith.constant 1 : i32
    scf.for %scan3A_123 = %scan3A_70 to %scan3A_72 step %scan3A_73  : i32 {
      %get3A = arith.index_cast %scan3A_123 : i32 to index
      %get3A_124 = arith.constant 0 : index
      %get3A_125 = tpu.vector_load %arg10[%get3A, %get3A_124] {strides = array<i32>} : memref<128x128xf32, #tpu.memory_space<vmem>>, vector<16xf32>,
      %get3A_126 = arith.index_cast %scan3A_123 : i32 to index
      %get3A_127 = arith.constant 0 : index
      %get3A_128 = tpu.vector_load %arg12[%get3A_126, %get3A_127] {strides = array<i32>} : memref<128x128xf32, #tpu.memory_space<vmem>>, vector<16xf32>,
      %mul3A_129 = arith.mulf %get3A_125, %get3A_128 : vector<16xf32>
      %get3A_130 = arith.index_cast %scan3A_123 : i32 to index
      %get3A_131 = arith.constant 16 : index
      %get3A_132 = tpu.vector_load %arg10[%get3A_130, %get3A_131] {strides = array<i32>} : memref<128x128xf32, #tpu.memory_space<vmem>>, vector<16xf32>,
      %get3A_133 = arith.index_cast %scan3A_123 : i32 to index
      %get3A_134 = arith.constant 16 : index
      %get3A_135 = tpu.vector_load %arg12[%get3A_133, %get3A_134] {strides = array<i32>} : memref<128x128xf32, #tpu.memory_space<vmem>>, vector<16xf32>,
      %mul3A_136 = arith.mulf %get3A_132, %get3A_135 : vector<16xf32>
      %add3A_137 = arith.addf %mul3A_129, %mul3A_136 : vector<16xf32>
      %get3A_138 = arith.index_cast %scan3A_123 : i32 to index
      %get3A_139 = arith.constant 32 : index
      %get3A_140 = tpu.vector_load %arg10[%get3A_138, %get3A_139] {strides = array<i32>} : memref<128x128xf32, #tpu.memory_space<vmem>>, vector<16xf32>,
      %get3A_141 = arith.index_cast %scan3A_123 : i32 to index
      %get3A_142 = arith.constant 32 : index
      %get3A_143 = tpu.vector_load %arg12[%get3A_141, %get3A_142] {strides = array<i32>} : memref<128x128xf32, #tpu.memory_space<vmem>>, vector<16xf32>,
      %mul3A_144 = arith.mulf %get3A_140, %get3A_143 : vector<16xf32>
      %add3A_145 = arith.addf %add3A_137, %mul3A_144 : vector<16xf32>
      %get3A_146 = arith.index_cast %scan3A_123 : i32 to index
      %get3A_147 = arith.constant 48 : index
      %get3A_148 = tpu.vector_load %arg10[%get3A_146, %get3A_147] {strides = array<i32>} : memref<128x128xf32, #tpu.memory_space<vmem>>, vector<16xf32>,
      %get3A_149 = arith.index_cast %scan3A_123 : i32 to index
      %get3A_150 = arith.constant 48 : index
      %get3A_151 = tpu.vector_load %arg12[%get3A_149, %get3A_150] {strides = array<i32>} : memref<128x128xf32, #tpu.memory_space<vmem>>, vector<16xf32>,
      %mul3A_152 = arith.mulf %get3A_148, %get3A_151 : vector<16xf32>
      %add3A_153 = arith.addf %add3A_145, %mul3A_152 : vector<16xf32>
      %get3A_154 = arith.index_cast %scan3A_123 : i32 to index
      %get3A_155 = arith.constant 64 : index
      %get3A_156 = tpu.vector_load %arg10[%get3A_154, %get3A_155] {strides = array<i32>} : memref<128x128xf32, #tpu.memory_space<vmem>>, vector<16xf32>,
      %get3A_157 = arith.index_cast %scan3A_123 : i32 to index
      %get3A_158 = arith.constant 64 : index
      %get3A_159 = tpu.vector_load %arg12[%get3A_157, %get3A_158] {strides = array<i32>} : memref<128x128xf32, #tpu.memory_space<vmem>>, vector<16xf32>,
      %mul3A_160 = arith.mulf %get3A_156, %get3A_159 : vector<16xf32>
      %add3A_161 = arith.addf %add3A_153, %mul3A_160 : vector<16xf32>
      %get3A_162 = arith.index_cast %scan3A_123 : i32 to index
      %get3A_163 = arith.constant 80 : index
      %get3A_164 = tpu.vector_load %arg10[%get3A_162, %get3A_163] {strides = array<i32>} : memref<128x128xf32, #tpu.memory_space<vmem>>, vector<16xf32>,
      %get3A_165 = arith.index_cast %scan3A_123 : i32 to index
      %get3A_166 = arith.constant 80 : index
      %get3A_167 = tpu.vector_load %arg12[%get3A_165, %get3A_166] {strides = array<i32>} : memref<128x128xf32, #tpu.memory_space<vmem>>, vector<16xf32>,
      %mul3A_168 = arith.mulf %get3A_164, %get3A_167 : vector<16xf32>
      %add3A_169 = arith.addf %add3A_161, %mul3A_168 : vector<16xf32>
      %get3A_170 = arith.index_cast %scan3A_123 : i32 to index
      %get3A_171 = arith.constant 96 : index
      %get3A_172 = tpu.vector_load %arg10[%get3A_170, %get3A_171] {strides = array<i32>} : memref<128x128xf32, #tpu.memory_space<vmem>>, vector<16xf32>,
      %get3A_173 = arith.index_cast %scan3A_123 : i32 to index
      %get3A_174 = arith.constant 96 : index
      %get3A_175 = tpu.vector_load %arg12[%get3A_173, %get3A_174] {strides = array<i32>} : memref<128x128xf32, #tpu.memory_space<vmem>>, vector<16xf32>,
      %mul3A_176 = arith.mulf %get3A_172, %get3A_175 : vector<16xf32>
      %add3A_177 = arith.addf %add3A_169, %mul3A_176 : vector<16xf32>
      %get3A_178 = arith.index_cast %scan3A_123 : i32 to index
      %get3A_179 = arith.constant 112 : index
      %get3A_180 = tpu.vector_load %arg10[%get3A_178, %get3A_179] {strides = array<i32>} : memref<128x128xf32, #tpu.memory_space<vmem>>, vector<16xf32>,
      %get3A_181 = arith.index_cast %scan3A_123 : i32 to index
      %get3A_182 = arith.constant 112 : index
      %get3A_183 = tpu.vector_load %arg12[%get3A_181, %get3A_182] {strides = array<i32>} : memref<128x128xf32, #tpu.memory_space<vmem>>, vector<16xf32>,
      %mul3A_184 = arith.mulf %get3A_180, %get3A_183 : vector<16xf32>
      %add3A_185 = arith.addf %add3A_177, %mul3A_184 : vector<16xf32>
      %add3A_186 = arith.constant 128 : i32
      %add3A_187 = arith.addi %add3A_186, %scan3A_123 : i32
      %cumsum3A = arith.constant true
      %cumsum3A_188 = vector.broadcast %cumsum3A : i1 to vector<16xi1>
      %cumsum3A_189 = tpu.scan <sum>, %add3A_185 masked %cumsum3A_188 : vector<16xf32>, vector<16xi1> -> vector<16xf32>
      %swap3A = arith.index_cast %add3A_187 : i32 to index
      %swap3A_190 = tpu.vector_load %arg13[%swap3A] masked %eq3A_68 {strides = array<i32>} : memref<528xf32, #tpu.memory_space<vmem>>, vector<16xf32>, vector<16xi1>
      tpu.vector_store %arg13[%swap3A], %cumsum3A_189 masked %eq3A_68 {strides = array<i32>} : memref<528xf32, #tpu.memory_space<vmem>>, vector<16xf32>, vector<16xi1>
    }
    %scan3A_74 = arith.constant 128 : i32
    %dma_start3A_75 = arith.constant 384 : i32
    %dma_start3A_76 = tpu.memref_slice %arg7[%dma_start3A_75] : memref<512xi32, #tpu.memory_space<vmem>> -> memref<128xi32, #tpu.memory_space<vmem>>
    %dma_start3A_77 = arith.constant 0 : i32
    %dma_start3A_78 = arith.constant 0 : i32
    %dma_start3A_79 = tpu.memref_slice %arg4[%dma_start3A_77, %dma_start3A_78] : memref<1000000x128xf32, #tpu.memory_space<hbm>> -> memref<1000000x128xf32, #tpu.memory_space<hbm>>
    tpu.enqueue_indirect_dma source(%dma_start3A_79 : memref<1000000x128xf32, #tpu.memory_space<hbm>>) target(%arg10 : memref<128x128xf32, #tpu.memory_space<vmem>>) offsets(%dma_start3A_76 : memref<128xi32, #tpu.memory_space<vmem>>) semaphore(%arg15 : memref<!tpu.dma_semaphore, #tpu.memory_space<semaphore_mem>>)
    %dma_start3A_80 = arith.constant 384 : i32
    %dma_start3A_81 = tpu.memref_slice %arg8[%dma_start3A_80] : memref<512xi32, #tpu.memory_space<vmem>> -> memref<128xi32, #tpu.memory_space<vmem>>
    %dma_start3A_82 = arith.constant 0 : i32
    %dma_start3A_83 = arith.constant 0 : i32
    %dma_start3A_84 = tpu.memref_slice %arg5[%dma_start3A_82, %dma_start3A_83] : memref<100000x128xf32, #tpu.memory_space<hbm>> -> memref<100000x128xf32, #tpu.memory_space<hbm>>
    tpu.enqueue_indirect_dma source(%dma_start3A_84 : memref<100000x128xf32, #tpu.memory_space<hbm>>) target(%arg12 : memref<128x128xf32, #tpu.memory_space<vmem>>) offsets(%dma_start3A_81 : memref<128xi32, #tpu.memory_space<vmem>>) semaphore(%arg17 : memref<!tpu.dma_semaphore, #tpu.memory_space<semaphore_mem>>)
    %dma_wait3A_85 = arith.constant 256 : i32
    %dma_wait3A_86 = tpu.memref_slice %arg7[%dma_wait3A_85] : memref<512xi32, #tpu.memory_space<vmem>> -> memref<128xi32, #tpu.memory_space<vmem>>
    %dma_wait3A_87 = arith.constant 0 : i32
    %dma_wait3A_88 = arith.constant 0 : i32
    %dma_wait3A_89 = tpu.memref_slice %arg4[%dma_wait3A_87, %dma_wait3A_88] : memref<1000000x128xf32, #tpu.memory_space<hbm>> -> memref<1000000x128xf32, #tpu.memory_space<hbm>>
    tpu.wait_indirect_dma semaphore(%arg14 : memref<!tpu.dma_semaphore, #tpu.memory_space<semaphore_mem>>) src(%dma_wait3A_89 : memref<1000000x128xf32, #tpu.memory_space<hbm>>) dst(%arg9 : memref<128x128xf32, #tpu.memory_space<vmem>>)
    %dma_wait3A_90 = arith.constant 256 : i32
    %dma_wait3A_91 = tpu.memref_slice %arg8[%dma_wait3A_90] : memref<512xi32, #tpu.memory_space<vmem>> -> memref<128xi32, #tpu.memory_space<vmem>>
    %dma_wait3A_92 = arith.constant 0 : i32
    %dma_wait3A_93 = arith.constant 0 : i32
    %dma_wait3A_94 = tpu.memref_slice %arg5[%dma_wait3A_92, %dma_wait3A_93] : memref<100000x128xf32, #tpu.memory_space<hbm>> -> memref<100000x128xf32, #tpu.memory_space<hbm>>
    tpu.wait_indirect_dma semaphore(%arg16 : memref<!tpu.dma_semaphore, #tpu.memory_space<semaphore_mem>>) src(%dma_wait3A_94 : memref<100000x128xf32, #tpu.memory_space<hbm>>) dst(%arg11 : memref<128x128xf32, #tpu.memory_space<vmem>>)
    %eq3A_95 = arith.constant 15 : i32
    %eq3A_96 = vector.broadcast %eq3A_95 : i32 to vector<16xi32>
    %eq3A_97 = arith.cmpi eq, %iota3A, %eq3A_96 : vector<16xi32>
    %scan3A_98 = arith.constant 0 : i32
    %scan3A_99 = arith.constant 0 : i32
    %scan3A_100 = arith.constant 128 : i32
    %scan3A_101 = arith.addi %scan3A_99, %scan3A_100 : i32
    %scan3A_102 = arith.constant 1 : i32
    scf.for %scan3A_123 = %scan3A_99 to %scan3A_101 step %scan3A_102  : i32 {
      %get3A = arith.index_cast %scan3A_123 : i32 to index
      %get3A_124 = arith.constant 0 : index
      %get3A_125 = tpu.vector_load %arg9[%get3A, %get3A_124] {strides = array<i32>} : memref<128x128xf32, #tpu.memory_space<vmem>>, vector<16xf32>,
      %get3A_126 = arith.index_cast %scan3A_123 : i32 to index
      %get3A_127 = arith.constant 0 : index
      %get3A_128 = tpu.vector_load %arg11[%get3A_126, %get3A_127] {strides = array<i32>} : memref<128x128xf32, #tpu.memory_space<vmem>>, vector<16xf32>,
      %mul3A_129 = arith.mulf %get3A_125, %get3A_128 : vector<16xf32>
      %get3A_130 = arith.index_cast %scan3A_123 : i32 to index
      %get3A_131 = arith.constant 16 : index
      %get3A_132 = tpu.vector_load %arg9[%get3A_130, %get3A_131] {strides = array<i32>} : memref<128x128xf32, #tpu.memory_space<vmem>>, vector<16xf32>,
      %get3A_133 = arith.index_cast %scan3A_123 : i32 to index
      %get3A_134 = arith.constant 16 : index
      %get3A_135 = tpu.vector_load %arg11[%get3A_133, %get3A_134] {strides = array<i32>} : memref<128x128xf32, #tpu.memory_space<vmem>>, vector<16xf32>,
      %mul3A_136 = arith.mulf %get3A_132, %get3A_135 : vector<16xf32>
      %add3A_137 = arith.addf %mul3A_129, %mul3A_136 : vector<16xf32>
      %get3A_138 = arith.index_cast %scan3A_123 : i32 to index
      %get3A_139 = arith.constant 32 : index
      %get3A_140 = tpu.vector_load %arg9[%get3A_138, %get3A_139] {strides = array<i32>} : memref<128x128xf32, #tpu.memory_space<vmem>>, vector<16xf32>,
      %get3A_141 = arith.index_cast %scan3A_123 : i32 to index
      %get3A_142 = arith.constant 32 : index
      %get3A_143 = tpu.vector_load %arg11[%get3A_141, %get3A_142] {strides = array<i32>} : memref<128x128xf32, #tpu.memory_space<vmem>>, vector<16xf32>,
      %mul3A_144 = arith.mulf %get3A_140, %get3A_143 : vector<16xf32>
      %add3A_145 = arith.addf %add3A_137, %mul3A_144 : vector<16xf32>
      %get3A_146 = arith.index_cast %scan3A_123 : i32 to index
      %get3A_147 = arith.constant 48 : index
      %get3A_148 = tpu.vector_load %arg9[%get3A_146, %get3A_147] {strides = array<i32>} : memref<128x128xf32, #tpu.memory_space<vmem>>, vector<16xf32>,
      %get3A_149 = arith.index_cast %scan3A_123 : i32 to index
      %get3A_150 = arith.constant 48 : index
      %get3A_151 = tpu.vector_load %arg11[%get3A_149, %get3A_150] {strides = array<i32>} : memref<128x128xf32, #tpu.memory_space<vmem>>, vector<16xf32>,
      %mul3A_152 = arith.mulf %get3A_148, %get3A_151 : vector<16xf32>
      %add3A_153 = arith.addf %add3A_145, %mul3A_152 : vector<16xf32>
      %get3A_154 = arith.index_cast %scan3A_123 : i32 to index
      %get3A_155 = arith.constant 64 : index
      %get3A_156 = tpu.vector_load %arg9[%get3A_154, %get3A_155] {strides = array<i32>} : memref<128x128xf32, #tpu.memory_space<vmem>>, vector<16xf32>,
      %get3A_157 = arith.index_cast %scan3A_123 : i32 to index
      %get3A_158 = arith.constant 64 : index
      %get3A_159 = tpu.vector_load %arg11[%get3A_157, %get3A_158] {strides = array<i32>} : memref<128x128xf32, #tpu.memory_space<vmem>>, vector<16xf32>,
      %mul3A_160 = arith.mulf %get3A_156, %get3A_159 : vector<16xf32>
      %add3A_161 = arith.addf %add3A_153, %mul3A_160 : vector<16xf32>
      %get3A_162 = arith.index_cast %scan3A_123 : i32 to index
      %get3A_163 = arith.constant 80 : index
      %get3A_164 = tpu.vector_load %arg9[%get3A_162, %get3A_163] {strides = array<i32>} : memref<128x128xf32, #tpu.memory_space<vmem>>, vector<16xf32>,
      %get3A_165 = arith.index_cast %scan3A_123 : i32 to index
      %get3A_166 = arith.constant 80 : index
      %get3A_167 = tpu.vector_load %arg11[%get3A_165, %get3A_166] {strides = array<i32>} : memref<128x128xf32, #tpu.memory_space<vmem>>, vector<16xf32>,
      %mul3A_168 = arith.mulf %get3A_164, %get3A_167 : vector<16xf32>
      %add3A_169 = arith.addf %add3A_161, %mul3A_168 : vector<16xf32>
      %get3A_170 = arith.index_cast %scan3A_123 : i32 to index
      %get3A_171 = arith.constant 96 : index
      %get3A_172 = tpu.vector_load %arg9[%get3A_170, %get3A_171] {strides = array<i32>} : memref<128x128xf32, #tpu.memory_space<vmem>>, vector<16xf32>,
      %get3A_173 = arith.index_cast %scan3A_123 : i32 to index
      %get3A_174 = arith.constant 96 : index
      %get3A_175 = tpu.vector_load %arg11[%get3A_173, %get3A_174] {strides = array<i32>} : memref<128x128xf32, #tpu.memory_space<vmem>>, vector<16xf32>,
      %mul3A_176 = arith.mulf %get3A_172, %get3A_175 : vector<16xf32>
      %add3A_177 = arith.addf %add3A_169, %mul3A_176 : vector<16xf32>
      %get3A_178 = arith.index_cast %scan3A_123 : i32 to index
      %get3A_179 = arith.constant 112 : index
      %get3A_180 = tpu.vector_load %arg9[%get3A_178, %get3A_179] {strides = array<i32>} : memref<128x128xf32, #tpu.memory_space<vmem>>, vector<16xf32>,
      %get3A_181 = arith.index_cast %scan3A_123 : i32 to index
      %get3A_182 = arith.constant 112 : index
      %get3A_183 = tpu.vector_load %arg11[%get3A_181, %get3A_182] {strides = array<i32>} : memref<128x128xf32, #tpu.memory_space<vmem>>, vector<16xf32>,
      %mul3A_184 = arith.mulf %get3A_180, %get3A_183 : vector<16xf32>
      %add3A_185 = arith.addf %add3A_177, %mul3A_184 : vector<16xf32>
      %add3A_186 = arith.constant 256 : i32
      %add3A_187 = arith.addi %add3A_186, %scan3A_123 : i32
      %cumsum3A = arith.constant true
      %cumsum3A_188 = vector.broadcast %cumsum3A : i1 to vector<16xi1>
      %cumsum3A_189 = tpu.scan <sum>, %add3A_185 masked %cumsum3A_188 : vector<16xf32>, vector<16xi1> -> vector<16xf32>
      %swap3A = arith.index_cast %add3A_187 : i32 to index
      %swap3A_190 = tpu.vector_load %arg13[%swap3A] masked %eq3A_97 {strides = array<i32>} : memref<528xf32, #tpu.memory_space<vmem>>, vector<16xf32>, vector<16xi1>
      tpu.vector_store %arg13[%swap3A], %cumsum3A_189 masked %eq3A_97 {strides = array<i32>} : memref<528xf32, #tpu.memory_space<vmem>>, vector<16xf32>, vector<16xi1>
    }
    %scan3A_103 = arith.constant 128 : i32
    %dma_wait3A_104 = arith.constant 384 : i32
    %dma_wait3A_105 = tpu.memref_slice %arg7[%dma_wait3A_104] : memref<512xi32, #tpu.memory_space<vmem>> -> memref<128xi32, #tpu.memory_space<vmem>>
    %dma_wait3A_106 = arith.constant 0 : i32
    %dma_wait3A_107 = arith.constant 0 : i32
    %dma_wait3A_108 = tpu.memref_slice %arg4[%dma_wait3A_106, %dma_wait3A_107] : memref<1000000x128xf32, #tpu.memory_space<hbm>> -> memref<1000000x128xf32, #tpu.memory_space<hbm>>
    tpu.wait_indirect_dma semaphore(%arg15 : memref<!tpu.dma_semaphore, #tpu.memory_space<semaphore_mem>>) src(%dma_wait3A_108 : memref<1000000x128xf32, #tpu.memory_space<hbm>>) dst(%arg10 : memref<128x128xf32, #tpu.memory_space<vmem>>)
    %dma_wait3A_109 = arith.constant 384 : i32
    %dma_wait3A_110 = tpu.memref_slice %arg8[%dma_wait3A_109] : memref<512xi32, #tpu.memory_space<vmem>> -> memref<128xi32, #tpu.memory_space<vmem>>
    %dma_wait3A_111 = arith.constant 0 : i32
    %dma_wait3A_112 = arith.constant 0 : i32
    %dma_wait3A_113 = tpu.memref_slice %arg5[%dma_wait3A_111, %dma_wait3A_112] : memref<100000x128xf32, #tpu.memory_space<hbm>> -> memref<100000x128xf32, #tpu.memory_space<hbm>>
    tpu.wait_indirect_dma semaphore(%arg17 : memref<!tpu.dma_semaphore, #tpu.memory_space<semaphore_mem>>) src(%dma_wait3A_113 : memref<100000x128xf32, #tpu.memory_space<hbm>>) dst(%arg12 : memref<128x128xf32, #tpu.memory_space<vmem>>)
    %eq3A_114 = arith.constant 15 : i32
    %eq3A_115 = vector.broadcast %eq3A_114 : i32 to vector<16xi32>
    %eq3A_116 = arith.cmpi eq, %iota3A, %eq3A_115 : vector<16xi32>
    %scan3A_117 = arith.constant 0 : i32
    %scan3A_118 = arith.constant 0 : i32
    %scan3A_119 = arith.constant 128 : i32
    %scan3A_120 = arith.addi %scan3A_118, %scan3A_119 : i32
    %scan3A_121 = arith.constant 1 : i32
    scf.for %scan3A_123 = %scan3A_118 to %scan3A_120 step %scan3A_121  : i32 {
      %get3A = arith.index_cast %scan3A_123 : i32 to index
      %get3A_124 = arith.constant 0 : index
      %get3A_125 = tpu.vector_load %arg10[%get3A, %get3A_124] {strides = array<i32>} : memref<128x128xf32, #tpu.memory_space<vmem>>, vector<16xf32>,
      %get3A_126 = arith.index_cast %scan3A_123 : i32 to index
      %get3A_127 = arith.constant 0 : index
      %get3A_128 = tpu.vector_load %arg12[%get3A_126, %get3A_127] {strides = array<i32>} : memref<128x128xf32, #tpu.memory_space<vmem>>, vector<16xf32>,
      %mul3A_129 = arith.mulf %get3A_125, %get3A_128 : vector<16xf32>
      %get3A_130 = arith.index_cast %scan3A_123 : i32 to index
      %get3A_131 = arith.constant 16 : index
      %get3A_132 = tpu.vector_load %arg10[%get3A_130, %get3A_131] {strides = array<i32>} : memref<128x128xf32, #tpu.memory_space<vmem>>, vector<16xf32>,
      %get3A_133 = arith.index_cast %scan3A_123 : i32 to index
      %get3A_134 = arith.constant 16 : index
      %get3A_135 = tpu.vector_load %arg12[%get3A_133, %get3A_134] {strides = array<i32>} : memref<128x128xf32, #tpu.memory_space<vmem>>, vector<16xf32>,
      %mul3A_136 = arith.mulf %get3A_132, %get3A_135 : vector<16xf32>
      %add3A_137 = arith.addf %mul3A_129, %mul3A_136 : vector<16xf32>
      %get3A_138 = arith.index_cast %scan3A_123 : i32 to index
      %get3A_139 = arith.constant 32 : index
      %get3A_140 = tpu.vector_load %arg10[%get3A_138, %get3A_139] {strides = array<i32>} : memref<128x128xf32, #tpu.memory_space<vmem>>, vector<16xf32>,
      %get3A_141 = arith.index_cast %scan3A_123 : i32 to index
      %get3A_142 = arith.constant 32 : index
      %get3A_143 = tpu.vector_load %arg12[%get3A_141, %get3A_142] {strides = array<i32>} : memref<128x128xf32, #tpu.memory_space<vmem>>, vector<16xf32>,
      %mul3A_144 = arith.mulf %get3A_140, %get3A_143 : vector<16xf32>
      %add3A_145 = arith.addf %add3A_137, %mul3A_144 : vector<16xf32>
      %get3A_146 = arith.index_cast %scan3A_123 : i32 to index
      %get3A_147 = arith.constant 48 : index
      %get3A_148 = tpu.vector_load %arg10[%get3A_146, %get3A_147] {strides = array<i32>} : memref<128x128xf32, #tpu.memory_space<vmem>>, vector<16xf32>,
      %get3A_149 = arith.index_cast %scan3A_123 : i32 to index
      %get3A_150 = arith.constant 48 : index
      %get3A_151 = tpu.vector_load %arg12[%get3A_149, %get3A_150] {strides = array<i32>} : memref<128x128xf32, #tpu.memory_space<vmem>>, vector<16xf32>,
      %mul3A_152 = arith.mulf %get3A_148, %get3A_151 : vector<16xf32>
      %add3A_153 = arith.addf %add3A_145, %mul3A_152 : vector<16xf32>
      %get3A_154 = arith.index_cast %scan3A_123 : i32 to index
      %get3A_155 = arith.constant 64 : index
      %get3A_156 = tpu.vector_load %arg10[%get3A_154, %get3A_155] {strides = array<i32>} : memref<128x128xf32, #tpu.memory_space<vmem>>, vector<16xf32>,
      %get3A_157 = arith.index_cast %scan3A_123 : i32 to index
      %get3A_158 = arith.constant 64 : index
      %get3A_159 = tpu.vector_load %arg12[%get3A_157, %get3A_158] {strides = array<i32>} : memref<128x128xf32, #tpu.memory_space<vmem>>, vector<16xf32>,
      %mul3A_160 = arith.mulf %get3A_156, %get3A_159 : vector<16xf32>
      %add3A_161 = arith.addf %add3A_153, %mul3A_160 : vector<16xf32>
      %get3A_162 = arith.index_cast %scan3A_123 : i32 to index
      %get3A_163 = arith.constant 80 : index
      %get3A_164 = tpu.vector_load %arg10[%get3A_162, %get3A_163] {strides = array<i32>} : memref<128x128xf32, #tpu.memory_space<vmem>>, vector<16xf32>,
      %get3A_165 = arith.index_cast %scan3A_123 : i32 to index
      %get3A_166 = arith.constant 80 : index
      %get3A_167 = tpu.vector_load %arg12[%get3A_165, %get3A_166] {strides = array<i32>} : memref<128x128xf32, #tpu.memory_space<vmem>>, vector<16xf32>,
      %mul3A_168 = arith.mulf %get3A_164, %get3A_167 : vector<16xf32>
      %add3A_169 = arith.addf %add3A_161, %mul3A_168 : vector<16xf32>
      %get3A_170 = arith.index_cast %scan3A_123 : i32 to index
      %get3A_171 = arith.constant 96 : index
      %get3A_172 = tpu.vector_load %arg10[%get3A_170, %get3A_171] {strides = array<i32>} : memref<128x128xf32, #tpu.memory_space<vmem>>, vector<16xf32>,
      %get3A_173 = arith.index_cast %scan3A_123 : i32 to index
      %get3A_174 = arith.constant 96 : index
      %get3A_175 = tpu.vector_load %arg12[%get3A_173, %get3A_174] {strides = array<i32>} : memref<128x128xf32, #tpu.memory_space<vmem>>, vector<16xf32>,
      %mul3A_176 = arith.mulf %get3A_172, %get3A_175 : vector<16xf32>
      %add3A_177 = arith.addf %add3A_169, %mul3A_176 : vector<16xf32>
      %get3A_178 = arith.index_cast %scan3A_123 : i32 to index
      %get3A_179 = arith.constant 112 : index
      %get3A_180 = tpu.vector_load %arg10[%get3A_178, %get3A_179] {strides = array<i32>} : memref<128x128xf32, #tpu.memory_space<vmem>>, vector<16xf32>,
      %get3A_181 = arith.index_cast %scan3A_123 : i32 to index
      %get3A_182 = arith.constant 112 : index
      %get3A_183 = tpu.vector_load %arg12[%get3A_181, %get3A_182] {strides = array<i32>} : memref<128x128xf32, #tpu.memory_space<vmem>>, vector<16xf32>,
      %mul3A_184 = arith.mulf %get3A_180, %get3A_183 : vector<16xf32>
      %add3A_185 = arith.addf %add3A_177, %mul3A_184 : vector<16xf32>
      %add3A_186 = arith.constant 384 : i32
      %add3A_187 = arith.addi %add3A_186, %scan3A_123 : i32
      %cumsum3A = arith.constant true
      %cumsum3A_188 = vector.broadcast %cumsum3A : i1 to vector<16xi1>
      %cumsum3A_189 = tpu.scan <sum>, %add3A_185 masked %cumsum3A_188 : vector<16xf32>, vector<16xi1> -> vector<16xf32>
      %swap3A = arith.index_cast %add3A_187 : i32 to index
      %swap3A_190 = tpu.vector_load %arg13[%swap3A] masked %eq3A_116 {strides = array<i32>} : memref<528xf32, #tpu.memory_space<vmem>>, vector<16xf32>, vector<16xi1>
      tpu.vector_store %arg13[%swap3A], %cumsum3A_189 masked %eq3A_116 {strides = array<i32>} : memref<528xf32, #tpu.memory_space<vmem>>, vector<16xf32>, vector<16xi1>
    }
    %scan3A_122 = arith.constant 128 : i32
    "tpu.region"() ({
      %run_scoped3A = tpu.sem_alloc : memref<!tpu.dma_semaphore, #tpu.memory_space<semaphore_mem>>
      %dma_start3A_123 = arith.constant 0 : i32
      %dma_start3A_124 = tpu.memref_slice %arg13[%dma_start3A_123] : memref<528xf32, #tpu.memory_space<vmem>> -> memref<512xf32, #tpu.memory_space<vmem>>
      %dma_start3A_125 = tpu.memref_slice %arg6[%mul3A_2] : memref<16384xf32, #tpu.memory_space<hbm>> -> memref<512xf32, #tpu.memory_space<hbm>>
      %dma_start3A_126 = tpu.memref_slice %arg6[%mul3A_2] : memref<16384xf32, #tpu.memory_space<hbm>> -> memref<512xf32, #tpu.memory_space<hbm>>
      %dma_start3A_127 = arith.constant 0 : i32
      %dma_start3A_128 = tpu.memref_slice %arg13[%dma_start3A_127] : memref<528xf32, #tpu.memory_space<vmem>> -> memref<512xf32, #tpu.memory_space<vmem>>
      tpu.enqueue_dma source(%dma_start3A_128 : memref<512xf32, #tpu.memory_space<vmem>>) target(%dma_start3A_126 : memref<512xf32, #tpu.memory_space<hbm>>) target_semaphore(%run_scoped3A : memref<!tpu.dma_semaphore, #tpu.memory_space<semaphore_mem>>)
      %dma_wait3A_129 = arith.constant 0 : i32
      %dma_wait3A_130 = tpu.memref_slice %arg13[%dma_wait3A_129] : memref<528xf32, #tpu.memory_space<vmem>> -> memref<512xf32, #tpu.memory_space<vmem>>
      %dma_wait3A_131 = tpu.memref_slice %arg6[%mul3A_2] : memref<16384xf32, #tpu.memory_space<hbm>> -> memref<512xf32, #tpu.memory_space<hbm>>
      %dma_wait3A_132 = tpu.memref_slice %arg6[%mul3A_2] : memref<16384xf32, #tpu.memory_space<hbm>> -> memref<512xf32, #tpu.memory_space<hbm>>
      %dma_wait3A_133 = arith.constant 0 : i32
      %dma_wait3A_134 = tpu.memref_slice %arg13[%dma_wait3A_133] : memref<528xf32, #tpu.memory_space<vmem>> -> memref<512xf32, #tpu.memory_space<vmem>>
      tpu.wait_dma2 semaphore(%run_scoped3A : memref<!tpu.dma_semaphore, #tpu.memory_space<semaphore_mem>>) src(%dma_wait3A_134 : memref<512xf32, #tpu.memory_space<vmem>>) dst(%dma_wait3A_132 : memref<512xf32, #tpu.memory_space<hbm>>)
      tpu.yield
    }) : () -> ()
    return
  }
}

</mosaic_0001>

<sc_bundles>
// kernel: kernel.3.cloned.1.call-start
scs
__scs_entry_jumppad:
0x0: {  	(pc) =	sbr.rel $0x88, $3  }
0x1: {  	(tag) =	ssettag $0x0;
	lr =	simm.s32 $0x1  }
0x2: {  	[smem:$0x3F9D] =	sst lr;
	_ =	strace $0xD0000000  }
0x3: {  	_ = 	snop  }
0x4: {  	_ = 	snop  }
0x5: {  	_ = 	snop  }
0x6: {  	_ = 	snop  }
0x7: {  	_ = 	snop  }
__scs_overlays_trampoline_lowered:
0x8: {  	[smem:$0x3FAC] =	sst s0  }
0x9: {  	[smem:$0x3FAD] =	sst s1  }
0xa: {  	[smem:$0x3FAE] =	sst s2  }
0xb: {  	[smem:$0x3FAF] =	sst s3  }
0xc: {  	[smem:$0x3FB0] =	sst s4  }
0xd: {  	[smem:$0x3FB1] =	sst s5  }
0xe: {  	[smem:$0x3FB2] =	sst s6  }
0xf: {  	[smem:$0x3FB3] =	sst s7  }
0x10: {  	[smem:$0x3FB4] =	sst s8  }
0x11: {  	[smem:$0x3FB5] =	sst s9;
	s0 =	simm.s32 @!p0 $0x0  }
0x12: {  	s1 =	sld [smem:$0x3F9B];
	s0 =	simm.s32 @p0 $0x1  }
0x13: {  	[smem:$0x3FB6] =	sst s0;
	s0 =	simm.s32 @!p1 $0x0  }
0x14: {  	s2 =	sld [smem:$0x3F9A];
	s0 =	simm.s32 @p1 $0x1  }
0x15: {  	[smem:$0x3FB7] =	sst s0;
	s0 =	simm.s32 @!p2 $0x0  }
0x16: {  	s3 =	sld [smem:$0x3FDB];
	s0 =	simm.s32 @p2 $0x1  }
0x17: {  	s4 =	simm.s32 $0x1BF5;
	[smem:$0x3FB9] =	sst s0  }
0x18: {  	s0 =	sld [smem:$0x3F9C];
	_ =	swait.ge [sflag:s4], $0x0  }
0x19: {  	s7 =	sld [smem:$0x3F9D]  }
0x1a: {  	s8 =	sadd.s32 $0xFFFFE003, lr  }
0x1b: {  	s9 =	sadd.s32 $0xFFFFFEF7, lr;
	s5 =	simm.s32 $0xFFFFFFFF;
	p2 =	slt.u32 s8, $0xFFFFF086  }
0x1c: {  	p1 =	slt.u32 s9, $0xF7A;
	s5 =	simm.s32 @!p2 $0x0  }
0x1d: {  	s5 =	simm.s32 @p1 $0x1;
	p0 =	seq.s32 s7, s2  }
0x1e: {  	s7 =	smul.u32 @!p0 $0xF7A, s2;
	p2 =	seq.s32 @!p0 s5, $0x0  }
0x1f: {  	s9 =	smul.u32 $0xF7A, s1;
	s8 =	simm.s32 @!p0 $0x1BF5;
	p2 =	por !p2, p0  }
0x20: {  	[sflag:s8] =	ssyncset.s32 @!p0 $0xFFFFF086;
	s6 =	sadd.s32 @!p0 s3, s7;
	s7 =	simm.s32 @!p0 $0x108  }
0x21: {  	s3 =	sadd.s32 s3, s9;
	s6 =	sadd.s32 @!p0 $0x88, s6;
	s7 =	simm.s32 @p2 $0x1082  }
0x22: {  	[simem:s7], [sflag:s8] =	dma.local @!p0 [hbm:s6], $0xF7A  }
0x23: {  	s9 =	sor.u32 $0xD0000000, s2;
	s6 =	simm.s32 $0x108;
	_ =	swait.ge @!p0 [sflag:s8], $0x0  }
0x24: {  	s3 =	sadd.s32 $0x88, s3;
	s6 =	simm.s32 @!p1 $0x1082;
	[sflag:s4] =	ssyncset.s32 $0xFFFFF086  }
0x25: {  	[simem:s6], [sflag:s4] =	dma.local [hbm:s3], $0xF7A  }
0x26: {  	[smem:$0x3F9D] =	sst s1;
	(tag) =	ssettag s2;
	_ =	strace s9  }
0x27: {  	s1 =	sld [smem:$0x3FAD]  }
0x28: {  	s2 =	sld [smem:$0x3FAE]  }
0x29: {  	s4 =	sld [smem:$0x3FB0]  }
0x2a: {  	p0 =	seq.s32 s5, $0x0;
	s5 =	sld [smem:$0x3FB1]  }
0x2b: {  	s6 =	sld [smem:$0x3FB2]  }
0x2c: {  	s7 =	sld [smem:$0x3FB3]  }
0x2d: {  	s3 =	simm.s32 $0x108;
	s8 =	sld [smem:$0x3FB4]  }
0x2e: {  	s3 =	simm.s32 @!p0 $0x1082;
	s9 =	sld [smem:$0x3FB5]  }
0x2f: {  	lr =	sadd.s32 s0, s3;
	s0 =	sld [smem:$0x3FAC]  }
0x30: {  	s3 =	sld [smem:$0x3FAF]  }
0x31: {  	[smem:$0x3FB8] =	sst s10  }
0x32: {  	s10 =	sld [smem:$0x3FB6];
	_ =	sdelay $0x3  }
0x33: {  	p0 =	seq.s32 s10, $0x1;
	s10 =	sld [smem:$0x3FB8];
	_ =	sdelay $0x3  }
0x34: {  	[smem:$0x3FB8] =	sst s10  }
0x35: {  	s10 =	sld [smem:$0x3FB7];
	_ =	sdelay $0x3  }
0x36: {  	p1 =	seq.s32 s10, $0x1;
	s10 =	sld [smem:$0x3FB8];
	_ =	sdelay $0x3  }
0x37: {  	[smem:$0x3FB8] =	sst s10  }
0x38: {  	s10 =	sld [smem:$0x3FB9]  }
0x39: {  	_ = 	snop;
	(pc) =	sbr.ind lr, $3  }
0x3a: {  	_ = 	snop  }
0x3b: {  	_ = 	snop  }
0x3c: {  	p2 =	seq.s32 s10, $0x1;
	s10 =	sld [smem:$0x3FB8]  }
0x3d: {  	_ =	shalt  }
0x3e: {  	_ =	shalt  }
0x3f: {  	_ =	shalt  }
0x40: {  	_ =	shalt  }
0x41: {  	_ =	shalt  }
0x42: {  	_ =	shalt  }
0x43: {  	_ =	shalt  }
0x44: {  	_ =	shalt  }
0x45: {  	_ =	shalt  }
0x46: {  	_ =	shalt  }
0x47: {  	_ =	shalt  }
0x48: {  	_ =	shalt  }
0x49: {  	_ =	shalt  }
0x4a: {  	_ =	shalt  }
0x4b: {  	_ =	shalt  }
0x4c: {  	_ =	shalt  }
0x4d: {  	_ =	shalt  }
0x4e: {  	_ =	shalt  }
0x4f: {  	_ =	shalt  }
0x50: {  	_ =	shalt  }
0x51: {  	_ =	shalt  }
0x52: {  	_ =	shalt  }
0x53: {  	_ =	shalt  }
0x54: {  	_ =	shalt  }
0x55: {  	_ =	shalt  }
0x56: {  	_ =	shalt  }
0x57: {  	_ =	shalt  }
0x58: {  	_ =	shalt  }
0x59: {  	_ =	shalt  }
0x5a: {  	_ =	shalt  }
0x5b: {  	_ =	shalt  }
0x5c: {  	_ =	shalt  }
0x5d: {  	_ =	shalt  }
0x5e: {  	_ =	shalt  }
0x5f: {  	_ =	shalt  }
0x60: {  	_ =	shalt  }
0x61: {  	_ =	shalt  }
0x62: {  	_ =	shalt  }
0x63: {  	_ =	shalt  }
0x64: {  	_ =	shalt  }
0x65: {  	_ =	shalt  }
0x66: {  	_ =	shalt  }
0x67: {  	_ =	shalt  }
0x68: {  	_ =	shalt  }
0x69: {  	_ =	shalt  }
0x6a: {  	_ =	shalt  }
0x6b: {  	_ =	shalt  }
0x6c: {  	_ =	shalt  }
0x6d: {  	_ =	shalt  }
0x6e: {  	_ =	shalt  }
0x6f: {  	_ =	shalt  }
0x70: {  	_ =	shalt  }
0x71: {  	_ =	shalt  }
0x72: {  	_ =	shalt  }
0x73: {  	_ =	shalt  }
0x74: {  	_ =	shalt  }
0x75: {  	_ =	shalt  }
0x76: {  	_ =	shalt  }
0x77: {  	_ =	shalt  }
0x78: {  	_ =	shalt  }
0x79: {  	_ =	shalt  }
0x7a: {  	_ =	shalt  }
0x7b: {  	_ =	shalt  }
0x7c: {  	_ =	shalt  }
0x7d: {  	_ =	shalt  }
0x7e: {  	_ =	shalt  }
0x7f: {  	_ =	shalt  }
0x80: {  	_ =	shalt  }
0x81: {  	_ =	shalt  }
0x82: {  	_ =	shalt  }
0x83: {  	_ =	shalt  }
0x84: {  	_ =	shalt  }
0x85: {  	_ =	shalt  }
0x86: {  	_ =	shalt  }
0x87: {  	_ =	shalt  }
.Lfunc_end0:
.L_simem_size_0:
called_computation_lowered:
.L_overlay_start_0:
0x88: {  	s2 =	sld [smem:$0x3FD9]  }
0x89: {  	s3 =	sld [smem:$0x3FFE];
	_ =	sdelay $0x1  }
0x8a: {  	s1 =	srdreg.scid  }
0x8b: {  	s0 =	sand.u32 $0x1, s1  }
0x8c: {  	s18 =	sshll.u32 s0, $0xA;
	s2 =	sadd.s32 s3, s2  }
0x8d: {  	s2 =	sadd.s32 s2, s18  }
0x8e: {  	[smem:$0x3FC4] =	sst s2  }
0x8f: {  	_ = 	snop  }
0x90: {  	s2 =	sld [smem:$0x3FC9]  }
0x91: {  	s19 =	sld [smem:$0x3FC8]  }
0x92: {  	s4 =	sld [smem:$0x3FC7]  }
0x93: {  	s5 =	sld [smem:$0x3FC6]  }
0x94: {  	s6 =	sld [smem:$0x3FD0];
	(tm) =	ssettm $0x1  }
0x95: {  	s7 =	sld [smem:$0x3FFB];
	_ =	sdelay $0x3  }
0x96: {  	_ =	strace s7  }
0x97: {  	s7 =	sld [smem:$0x3FFC];
	_ =	sdelay $0x3  }
0x98: {  	_ =	strace s7  }
0x99: {  	s7 =	sld [smem:$0x3FFD];
	_ =	sdelay $0x3  }
0x9a: {  	_ =	strace s7  }
0x9b: {  	_ =	strace $0x8FFFFFFF  }
0x9c: {  	s20 =	sld [smem:$0x3FDB];
	_ =	sdelay $0x1  }
0x9d: {  	s8 =	simm.s32 $_scs_section_size  }
0x9e: {  	s9 =	simm.s32 $_size__tile_overlayer_lowered;
	s10 =	simm.s32 $_tile_overlayer_lowered  }
0x9f: {  	s23 =	simm.s32 $0x1BFF;
	s22 =	sshll.u32 s10, $0x1;
	s7 =	sadd.s32 s8, s20  }
0xa0: {  	s11 =	simm.s32 $0x0;
	s21 =	sshll.u32 s9, $0x1;
	s9 =	sadd.s32 s22, s7  }
0xa1: {  	[timem:s11], [sflag:s23] =	dma.local [hbm:s9], s21  }
0xa2: {  	_ =	swait.ge [sflag:s23], s21  }
0xa3: {  	s8 =	ssub.s32 $0x0, s21;
	[sflag:s23] =	ssyncset.done $0x0  }
0xa4: {  	[sflag:s23] =	ssyncadd.s32 s8;
	_ =	sdelay $0x1  }
0xa5: {  	s24 =	simm.s32 $0x1B8B  }
0xa6: {  	_ =	swait.ge [sflag:s24], $0x1  }
0xa7: {  	[sflag:s24] =	ssyncset.done $0x0  }
0xa8: {  	s25 =	simm.s32 $0x1B8E;
	[sflag:s24] =	ssyncadd.s32 $0xFFFFFFFF  }
0xa9: {  	s26 =	simm.s32 $execute0_lowered;
	[smem:$0x3FD2] =	sst s25  }
0xaa: {  	s8 =	sshll.u32 s26, $0x1;
	_ =	strace $0x80000046;
	[dreg:$0x1] =	wrdreg $0xFFFFFFFF  }
0xab: {  	s28 =	simm.s32 $_size_execute0_lowered;
	s7 =	sadd.s32 s7, s8;
	[dreg:$0x0] =	wrdreg $0x0  }
0xac: {  	s8 =	sshll.u32 s28, $0x1;
	[dreg:$0x2] =	wrdreg s7  }
0xad: {  	[dreg:$0x3] =	wrdreg s8  }
0xae: {  	[dreg:$0x4] =	wrdreg $0xC0  }
0xaf: {  	_ =	task [dreg:s11], $0x5FFFF  }
0xb0: {  	[dreg:$0x1] =	wrdreg $0xFFFFFFFF  }
0xb1: {  	[dreg:$0x0] =	wrdreg $0x60  }
0xb2: {  	[dreg:$0x2] =	wrdreg s2  }
0xb3: {  	[dreg:$0x3] =	wrdreg s19  }
0xb4: {  	[dreg:$0x4] =	wrdreg s4  }
0xb5: {  	[dreg:$0x5] =	wrdreg s5  }
0xb6: {  	[dreg:$0x6] =	wrdreg s6  }
0xb7: {  	[dreg:$0x7] =	wrdreg $0x9  }
0xb8: {  	_ =	task.clear_ibuf [dreg:s11], $0x8FFFF;
	_ =	strace $0x90000046  }
0xb9: {  	s29 =	simm.s32 $0x9;
	_ =	strace $0x80000048  }
0xba: {  	_ =	swait.ge [sflag:s29], $0x1  }
0xbb: {  	[sflag:s29] =	ssyncadd.s32 $0xFFFFFFFF  }
0xbc: {  	_ =	strace $0x90000048  }
0xbd: {  	_ =	sfence  }
0xbe: {  	s30 =	sld [smem:$0x0];
	_ =	sdelay $0x2  }
0xbf: {  	s31 =	sshll.u32 s1, $0xD;
	s1 =	sshrl.u32 s1, $0x2  }
0xc0: {  	s3 =	sand.u32 $0x4000, s31;
	s1 =	sadd.s32 s1, s30  }
0xc1: {  	s0 =	sor.u32 s3, s0;
	s1 =	sshll.u32 s1, $0x11  }
0xc2: {  	s0 =	sor.u32 s1, s0  }
0xc3: {  	s0 =	sadd.s32 $0x8F2B, s0  }
0xc4: {  	[sflag:s0] =	ssyncadd.remote.s32 $0x1  }
0xc5: {  	_ =	sfence.sel $0xFFFF  }
0xc6: {  	[dreg:$0x0] =	wrdreg $0xFFFFFFFF;
	(pc) =	sbr.abs _section_cstart, $3  }
0xc7: {  	[dreg:$0x1] =	wrdreg $0xFFFFFFFF  }
0xc8: {  	_ =	task.clear_ibuf [dreg:s11], $0x2FFFF;
	_ =	strace $0x9FFFFFFF  }
0xc9: {  	(tm) =	ssettm $0x7FFFFFFF  }
tec
execute0_lowered:
.L_overlay_start_1:
0x0: {  	(tag) =	ssettag $0x1  }
0x1: {  	s5 =	rddreg [dreg:$0x0]  }
0x2: {  	s6 =	rddreg [dreg:$0x1]  }
0x3: {  	s1 =	rddreg [dreg:$0x2]  }
0x4: {  	s2 =	rddreg [dreg:$0x3]  }
0x5: {  	s7 =	rddreg [dreg:$0x4]  }
0x6: {  	s0 =	rddreg [dreg:$0x5];
	s8 =	srdreg.scid  }
0x7: {  	s4 =	simm.s32 $0x0;
	s3 =	stileid.u32;
	s12 =	simm.s32 $0x80  }
0x8: {  	s13 =	simm.s32 $0x400;
	s14 =	simm.s32 $0x8400;
	s15 =	simm.s32 $0x4400  }
0x9: {  	s16 =	simm.s32 $0x280;
	s17 =	simm.s32 $0xC400;
	s18 =	simm.s32 $0x1  }
0xa: {  	s19 =	simm.s32 $0x3;
	s20 =	simm.s32 $0x100;
	s21 =	simm.s32 $0x300  }
0xb: {  	s22 =	simm.s32 $0x180;
	s23 =	simm.s32 $0x380;
	s24 =	simm.s32 $0x10400  }
0xc: {  	s25 =	simm.s32 $0x5;
	s26 =	simm.s32 $0x0;
	s8 =	sand.u32 $0x1, s8  }
0xd: {  	s10 =	sshll.u32 s3, $0x7;
	[smem:$0x7FF] =	sst s4;
	s9 =	ssub.s32 $0x2, s8  }
0xe: {  	s8 =	sshll.u32 s8, $0x6;
	_ =	strace $0x80000047;
	s11 =	sshrl.u32 s9, $0x1  }
0xf: {  	s8 =	sor.u32 s8, s10;
	s10 =	simm.s32 $0x2;
	s9 =	ssub.s32 s9, s11  }
0x10: {  	s5 =	sadd.s32 s5, s8;
	s6 =	sadd.s32 s6, s8;
	s7 =	sadd.s32 s7, s8  }
0x11: {  	vm0 =	vcmask $0x3F3C;
	s11 =	simm.s32 $0x4;
	s8 =	smax.u32 s9, $0x1;
	s9 =	simm.s32 $0x200  }
.LBB2_1:
0x12: {  	[tilespmem:s4], [sflag:$0x2] =	stream.linear.gather [hbm4b:s5+s4], $0x200, $0x38;
	[tilespmem:$0x10680] =	vst v63  }
0x13: {  	_ = 	snop  }
0x14: {  	[tilespmem:s9], [sflag:$0x4] =	stream.linear.gather [hbm4b:s6+s4], $0x200, $0x38;
	[tilespmem:$0x10680] =	vst v63  }
0x15: {  	_ =	swait.ge [sflag:s10], $0x200  }
0x16: {  	[sflag:s10] =	ssyncset.done $0x0  }
0x17: {  	[sflag:s10] =	ssyncadd.s32 $0xFFFFFE00  }
0x18: {  	_ =	swait.ge [sflag:s11], $0x200  }
0x19: {  	[sflag:s11] =	ssyncset.done $0x0  }
0x1a: {  	[sflag:s11] =	ssyncadd.s32 $0xFFFFFE00  }
0x1b: {  	[tilespmem:s13], [sflag:$0x1] =	stream.indirect.gather [hbm4b:s1+s12], $0x80, s4, s12, $0xb8;
	[tilespmem:$0x10680] =	vst v63  }
0x1c: {  	_ = 	snop  }
0x1d: {  	[tilespmem:s14], [sflag:$0x3] =	stream.indirect.gather [hbm4b:s2+s12], $0x80, s9, s12, $0xb8;
	[tilespmem:$0x10680] =	vst v63  }
0x1e: {  	_ = 	snop  }
0x1f: {  	[tilespmem:s15], [sflag:$0x2] =	stream.indirect.gather [hbm4b:s1+s12], $0x80, s12, s12, $0xb8;
	[tilespmem:$0x10680] =	vst v63  }
0x20: {  	_ = 	snop  }
0x21: {  	[tilespmem:s17], [sflag:$0x4] =	stream.indirect.gather [hbm4b:s2+s12], $0x80, s16, s12, $0xb8;
	[tilespmem:$0x10680] =	vst v63  }
0x22: {  	_ =	swait.ge [sflag:s18], $0x4000  }
0x23: {  	[sflag:s18] =	ssyncset.done $0x0  }
0x24: {  	[sflag:s18] =	ssyncadd.s32 $0xFFFFC000  }
0x25: {  	_ =	swait.ge [sflag:s19], $0x4000  }
0x26: {  	[sflag:s19] =	ssyncset.done $0x0  }
0x27: {  	s28 =	simm.s32 $0x0;
	[sflag:s19] =	ssyncadd.s32 $0xFFFFC000  }
0x28: {  	v0 =	vld [tilespmem:s28+$0x8400]  }
0x29: {  	v1 =	vld [tilespmem:s28+$0x400]  }
0x2a: {  	v2 =	vld [tilespmem:s28+$0x410]  }
0x2b: {  	v3 =	vld [tilespmem:s28+$0x8410]  }
0x2c: {  	v4 =	vld [tilespmem:s28+$0x420]  }
0x2d: {  	v5 =	vld [tilespmem:s28+$0x8420]  }
0x2e: {  	v6 =	vld [tilespmem:s28+$0x430]  }
0x2f: {  	v7 =	vld [tilespmem:s28+$0x8430]  }
0x30: {  	v0 =	vmul.f32 v0, v1;
	v1 =	vmul.f32 v3, v2;
	v2 =	vld [tilespmem:s28+$0x440]  }
0x31: {  	v3 =	vld [tilespmem:s28+$0x8440]  }
0x32: {  	v60 =	vld [tilespmem:s28+$0x450];
	v0 =	vadd.f32 v1, v0;
	v1 =	vmul.f32 v5, v4  }
0x33: {  	v61 =	vld [tilespmem:s28+$0x8450]  }
0x34: {  	v62 =	vld [tilespmem:s28+$0x460];
	v0 =	vadd.f32 v1, v0;
	v1 =	vmul.f32 v7, v6  }
0x35: {  	v63 =	vld [tilespmem:s28+$0x8460]  }
0x36: {  	v0 =	vadd.f32 v1, v0;
	v1 =	vmul.f32 v3, v2;
	v2 =	vld [tilespmem:s28+$0x470]  }
0x37: {  	v3 =	vld [tilespmem:s28+$0x8470]  }
0x38: {  	v0 =	vadd.f32 v1, v0;
	v1 =	vmul.f32 v61, v60;
	_ =	sdelay $0x1  }
0x39: {  	v0 =	vadd.f32 v1, v0;
	v1 =	vmul.f32 v63, v62;
	_ =	sdelay $0x1  }
0x3a: {  	v0 =	vadd.f32 v1, v0;
	v1 =	vmul.f32 v3, v2;
	_ =	sdelay $0x1  }
0x3b: {  	v0 =	vadd.f32 v1, v0;
	_ =	sdelay $0x1  }
0x3c: {  	(xrf2) =	vadd.scan.msk.f32 $0xffff, v0;
	_ =	sdelay $0x9  }
0x3d: {  	v0, _, _ =	vpop (xrf2)  }
0x3e: {  	s30 =	simm.s32 $0x80;
	[tilespmem:s24+$0x0] =	vst.msk vm0, v0  }
0x3f: {  	v0 =	vld [tilespmem:s30+$0x8400]  }
0x40: {  	v1 =	vld [tilespmem:s30+$0x400]  }
0x41: {  	s29 =	simm.s32 $0x400;
	s28 =	simm.s32 $0x10400;
	v2 =	vld [tilespmem:s30+$0x410]  }
.LBB2_2:
0x42: {  	p0 =	sne.s32 s29, $0xFE00;
	v3 =	vld [tilespmem:s30+$0x8410]  }
0x43: {  	v4 =	vld [tilespmem:s30+$0x420]  }
0x44: {  	v5 =	vld [tilespmem:s30+$0x8420]  }
0x45: {  	v6 =	vld [tilespmem:s30+$0x430]  }
0x46: {  	v7 =	vld [tilespmem:s30+$0x8430]  }
0x47: {  	v0 =	vmul.f32 v0, v1;
	v1 =	vmul.f32 v3, v2;
	v2 =	vld [tilespmem:s30+$0x440]  }
0x48: {  	v3 =	vld [tilespmem:s30+$0x8440]  }
0x49: {  	v0 =	vadd.f32 v1, v0;
	v1 =	vmul.f32 v5, v4;
	v4 =	vld [tilespmem:s30+$0x450]  }
0x4a: {  	v5 =	vld [tilespmem:s30+$0x8450]  }
0x4b: {  	v0 =	vadd.f32 v1, v0;
	v1 =	vmul.f32 v7, v6;
	v6 =	vld [tilespmem:s30+$0x460]  }
0x4c: {  	v7 =	vld [tilespmem:s30+$0x8460]  }
0x4d: {  	v0 =	vadd.f32 v1, v0;
	v1 =	vmul.f32 v3, v2;
	v2 =	vld [tilespmem:s30+$0x470]  }
0x4e: {  	v3 =	vld [tilespmem:s30+$0x8470]  }
0x4f: {  	v0 =	vadd.f32 v1, v0;
	v1 =	vmul.f32 v5, v4;
	_ =	sdelay $0x1  }
0x50: {  	v0 =	vadd.f32 v1, v0;
	v1 =	vmul.f32 v7, v6;
	_ =	sdelay $0x1  }
0x51: {  	v0 =	vadd.f32 v1, v0;
	v1 =	vmul.f32 v3, v2;
	_ =	sdelay $0x1  }
0x52: {  	v0 =	vadd.f32 v1, v0;
	_ =	sdelay $0x1  }
0x53: {  	(xrf2) =	vadd.scan.msk.f32 $0xffff, v0;
	_ =	sdelay $0x9  }
.Ltmp0:
0x54: {  	s28 =	sadd.s32 $0x1, s28;
	v0, _, _ =	vpop (xrf2);
	(pc) =	sbr.rel @p0 .LBB2_2-.Ltmp0, $4  }
0x55: {  	s30 =	sshra.s32 s29, $0x2;
	[tilespmem:s28+$0x0] =	vst.msk vm0, v0  }
0x56: {  	v0 =	vld [tilespmem:s30+$0x8400]  }
0x57: {  	v1 =	vld [tilespmem:s30+$0x400]  }
0x58: {  	s29 =	sadd.s32 $0x200, s29;
	v2 =	vld [tilespmem:s30+$0x410]  }
0x59: {  	v3 =	vld [tilespmem:s30+$0x8410]  }
0x5a: {  	v4 =	vld [tilespmem:s30+$0x420]  }
0x5b: {  	v5 =	vld [tilespmem:s30+$0x8420]  }
0x5c: {  	v6 =	vld [tilespmem:s30+$0x430]  }
0x5d: {  	v7 =	vld [tilespmem:s30+$0x8430]  }
0x5e: {  	v0 =	vmul.f32 v0, v1;
	v1 =	vmul.f32 v3, v2;
	v2 =	vld [tilespmem:s30+$0x440]  }
0x5f: {  	v3 =	vld [tilespmem:s30+$0x8440]  }
0x60: {  	v52 =	vld [tilespmem:s30+$0x450];
	v0 =	vadd.f32 v1, v0;
	v1 =	vmul.f32 v5, v4  }
0x61: {  	v53 =	vld [tilespmem:s30+$0x8450]  }
0x62: {  	v54 =	vld [tilespmem:s30+$0x460];
	v0 =	vadd.f32 v1, v0;
	v1 =	vmul.f32 v7, v6  }
0x63: {  	v55 =	vld [tilespmem:s30+$0x8460]  }
0x64: {  	v0 =	vadd.f32 v1, v0;
	v1 =	vmul.f32 v3, v2;
	v2 =	vld [tilespmem:s30+$0x470]  }
0x65: {  	v3 =	vld [tilespmem:s30+$0x8470]  }
0x66: {  	v0 =	vadd.f32 v1, v0;
	v1 =	vmul.f32 v53, v52;
	_ =	sdelay $0x1  }
0x67: {  	v0 =	vadd.f32 v1, v0;
	v1 =	vmul.f32 v55, v54;
	_ =	sdelay $0x1  }
0x68: {  	v0 =	vadd.f32 v1, v0;
	v1 =	vmul.f32 v3, v2;
	_ =	sdelay $0x1  }
0x69: {  	v0 =	vadd.f32 v1, v0;
	_ =	sdelay $0x1  }
0x6a: {  	(xrf2) =	vadd.scan.msk.f32 $0xffff, v0;
	_ =	sdelay $0x9  }
0x6b: {  	s28 =	sadd.s32 $0x1, s28;
	v0, _, _ =	vpop (xrf2)  }
0x6c: {  	[tilespmem:s28+$0x0] =	vst.msk vm0, v0  }
0x6d: {  	[tilespmem:s13], [sflag:$0x1] =	stream.indirect.gather [hbm4b:s1+s12], $0x80, s20, s12, $0xb8;
	[tilespmem:$0x10680] =	vst v63  }
0x6e: {  	_ = 	snop  }
0x6f: {  	[tilespmem:s14], [sflag:$0x3] =	stream.indirect.gather [hbm4b:s2+s12], $0x80, s21, s12, $0xb8;
	[tilespmem:$0x10680] =	vst v63  }
0x70: {  	_ =	swait.ge [sflag:s10], $0x4000  }
0x71: {  	[sflag:s10] =	ssyncset.done $0x0  }
0x72: {  	[sflag:s10] =	ssyncadd.s32 $0xFFFFC000  }
0x73: {  	_ =	swait.ge [sflag:s11], $0x4000  }
0x74: {  	[sflag:s11] =	ssyncset.done $0x0  }
0x75: {  	s28 =	simm.s32 $0x0;
	[sflag:s11] =	ssyncadd.s32 $0xFFFFC000  }
0x76: {  	v0 =	vld [tilespmem:s28+$0xC400]  }
0x77: {  	v1 =	vld [tilespmem:s28+$0x4400]  }
0x78: {  	v2 =	vld [tilespmem:s28+$0x4410]  }
0x79: {  	v3 =	vld [tilespmem:s28+$0xC410]  }
0x7a: {  	v56 =	vld [tilespmem:s28+$0x4420]  }
0x7b: {  	v57 =	vld [tilespmem:s28+$0xC420]  }
0x7c: {  	v58 =	vld [tilespmem:s28+$0x4430]  }
0x7d: {  	v59 =	vld [tilespmem:s28+$0xC430]  }
0x7e: {  	v0 =	vmul.f32 v0, v1;
	v1 =	vmul.f32 v3, v2;
	v2 =	vld [tilespmem:s28+$0x4440]  }
0x7f: {  	v3 =	vld [tilespmem:s28+$0xC440]  }
0x80: {  	v60 =	vld [tilespmem:s28+$0x4450];
	v0 =	vadd.f32 v1, v0;
	v1 =	vmul.f32 v57, v56  }
0x81: {  	v61 =	vld [tilespmem:s28+$0xC450]  }
0x82: {  	v62 =	vld [tilespmem:s28+$0x4460];
	v0 =	vadd.f32 v1, v0;
	v1 =	vmul.f32 v59, v58  }
0x83: {  	v63 =	vld [tilespmem:s28+$0xC460]  }
0x84: {  	v0 =	vadd.f32 v1, v0;
	v1 =	vmul.f32 v3, v2;
	v2 =	vld [tilespmem:s28+$0x4470]  }
0x85: {  	v3 =	vld [tilespmem:s28+$0xC470]  }
0x86: {  	v0 =	vadd.f32 v1, v0;
	v1 =	vmul.f32 v61, v60;
	_ =	sdelay $0x1  }
0x87: {  	v0 =	vadd.f32 v1, v0;
	v1 =	vmul.f32 v63, v62;
	_ =	sdelay $0x1  }
0x88: {  	v0 =	vadd.f32 v1, v0;
	v1 =	vmul.f32 v3, v2;
	_ =	sdelay $0x1  }
0x89: {  	v0 =	vadd.f32 v1, v0;
	_ =	sdelay $0x1  }
0x8a: {  	(xrf2) =	vadd.scan.msk.f32 $0xffff, v0;
	_ =	sdelay $0x9  }
0x8b: {  	s28 =	simm.s32 $0x10480;
	v0, _, _ =	vpop (xrf2)  }
0x8c: {  	s30 =	simm.s32 $0x80;
	[tilespmem:s28+$0x0] =	vst.msk vm0, v0  }
0x8d: {  	v0 =	vld [tilespmem:s30+$0xC400]  }
0x8e: {  	v1 =	vld [tilespmem:s30+$0x4400]  }
0x8f: {  	s29 =	simm.s32 $0x400;
	v2 =	vld [tilespmem:s30+$0x4410]  }
.LBB2_4:
0x90: {  	p0 =	sne.s32 s29, $0xFE00;
	v3 =	vld [tilespmem:s30+$0xC410]  }
0x91: {  	v4 =	vld [tilespmem:s30+$0x4420]  }
0x92: {  	v5 =	vld [tilespmem:s30+$0xC420]  }
0x93: {  	v6 =	vld [tilespmem:s30+$0x4430]  }
0x94: {  	v7 =	vld [tilespmem:s30+$0xC430]  }
0x95: {  	v0 =	vmul.f32 v0, v1;
	v1 =	vmul.f32 v3, v2;
	v2 =	vld [tilespmem:s30+$0x4440]  }
0x96: {  	v3 =	vld [tilespmem:s30+$0xC440]  }
0x97: {  	v0 =	vadd.f32 v1, v0;
	v1 =	vmul.f32 v5, v4;
	v4 =	vld [tilespmem:s30+$0x4450]  }
0x98: {  	v5 =	vld [tilespmem:s30+$0xC450]  }
0x99: {  	v0 =	vadd.f32 v1, v0;
	v1 =	vmul.f32 v7, v6;
	v6 =	vld [tilespmem:s30+$0x4460]  }
0x9a: {  	v7 =	vld [tilespmem:s30+$0xC460]  }
0x9b: {  	v0 =	vadd.f32 v1, v0;
	v1 =	vmul.f32 v3, v2;
	v2 =	vld [tilespmem:s30+$0x4470]  }
0x9c: {  	v3 =	vld [tilespmem:s30+$0xC470]  }
0x9d: {  	v0 =	vadd.f32 v1, v0;
	v1 =	vmul.f32 v5, v4;
	_ =	sdelay $0x1  }
0x9e: {  	v0 =	vadd.f32 v1, v0;
	v1 =	vmul.f32 v7, v6;
	_ =	sdelay $0x1  }
0x9f: {  	v0 =	vadd.f32 v1, v0;
	v1 =	vmul.f32 v3, v2;
	_ =	sdelay $0x1  }
0xa0: {  	v0 =	vadd.f32 v1, v0;
	_ =	sdelay $0x1  }
0xa1: {  	(xrf2) =	vadd.scan.msk.f32 $0xffff, v0;
	_ =	sdelay $0x9  }
.Ltmp1:
0xa2: {  	s28 =	sadd.s32 $0x1, s28;
	v0, _, _ =	vpop (xrf2);
	(pc) =	sbr.rel @p0 .LBB2_4-.Ltmp1, $4  }
0xa3: {  	s30 =	sshra.s32 s29, $0x2;
	[tilespmem:s28+$0x0] =	vst.msk vm0, v0  }
0xa4: {  	v0 =	vld [tilespmem:s30+$0xC400]  }
0xa5: {  	v1 =	vld [tilespmem:s30+$0x4400]  }
0xa6: {  	s29 =	sadd.s32 $0x200, s29;
	v2 =	vld [tilespmem:s30+$0x4410]  }
0xa7: {  	v3 =	vld [tilespmem:s30+$0xC410]  }
0xa8: {  	v4 =	vld [tilespmem:s30+$0x4420]  }
0xa9: {  	v5 =	vld [tilespmem:s30+$0xC420]  }
0xaa: {  	v6 =	vld [tilespmem:s30+$0x4430]  }
0xab: {  	v7 =	vld [tilespmem:s30+$0xC430]  }
0xac: {  	v0 =	vmul.f32 v0, v1;
	v1 =	vmul.f32 v3, v2;
	v2 =	vld [tilespmem:s30+$0x4440]  }
0xad: {  	v3 =	vld [tilespmem:s30+$0xC440]  }
0xae: {  	v52 =	vld [tilespmem:s30+$0x4450];
	v0 =	vadd.f32 v1, v0;
	v1 =	vmul.f32 v5, v4  }
0xaf: {  	v53 =	vld [tilespmem:s30+$0xC450]  }
0xb0: {  	v54 =	vld [tilespmem:s30+$0x4460];
	v0 =	vadd.f32 v1, v0;
	v1 =	vmul.f32 v7, v6  }
0xb1: {  	v55 =	vld [tilespmem:s30+$0xC460]  }
0xb2: {  	v0 =	vadd.f32 v1, v0;
	v1 =	vmul.f32 v3, v2;
	v2 =	vld [tilespmem:s30+$0x4470]  }
0xb3: {  	v3 =	vld [tilespmem:s30+$0xC470]  }
0xb4: {  	v0 =	vadd.f32 v1, v0;
	v1 =	vmul.f32 v53, v52;
	_ =	sdelay $0x1  }
0xb5: {  	v0 =	vadd.f32 v1, v0;
	v1 =	vmul.f32 v55, v54;
	_ =	sdelay $0x1  }
0xb6: {  	v0 =	vadd.f32 v1, v0;
	v1 =	vmul.f32 v3, v2;
	_ =	sdelay $0x1  }
0xb7: {  	v0 =	vadd.f32 v1, v0;
	_ =	sdelay $0x1  }
0xb8: {  	(xrf2) =	vadd.scan.msk.f32 $0xffff, v0;
	_ =	sdelay $0x9  }
0xb9: {  	s28 =	sadd.s32 $0x1, s28;
	v0, _, _ =	vpop (xrf2)  }
0xba: {  	[tilespmem:s28+$0x0] =	vst.msk vm0, v0  }
0xbb: {  	[tilespmem:s15], [sflag:$0x2] =	stream.indirect.gather [hbm4b:s1+s12], $0x80, s22, s12, $0xb8;
	[tilespmem:$0x10680] =	vst v63  }
0xbc: {  	_ = 	snop  }
0xbd: {  	[tilespmem:s17], [sflag:$0x4] =	stream.indirect.gather [hbm4b:s2+s12], $0x80, s23, s12, $0xb8;
	[tilespmem:$0x10680] =	vst v63  }
0xbe: {  	_ =	swait.ge [sflag:s18], $0x4000  }
0xbf: {  	[sflag:s18] =	ssyncset.done $0x0  }
0xc0: {  	[sflag:s18] =	ssyncadd.s32 $0xFFFFC000  }
0xc1: {  	_ =	swait.ge [sflag:s19], $0x4000  }
0xc2: {  	[sflag:s19] =	ssyncset.done $0x0  }
0xc3: {  	s28 =	simm.s32 $0x0;
	[sflag:s19] =	ssyncadd.s32 $0xFFFFC000  }
0xc4: {  	v0 =	vld [tilespmem:s28+$0x8400]  }
0xc5: {  	v1 =	vld [tilespmem:s28+$0x400]  }
0xc6: {  	v2 =	vld [tilespmem:s28+$0x410]  }
0xc7: {  	v3 =	vld [tilespmem:s28+$0x8410]  }
0xc8: {  	v56 =	vld [tilespmem:s28+$0x420]  }
0xc9: {  	v57 =	vld [tilespmem:s28+$0x8420]  }
0xca: {  	v58 =	vld [tilespmem:s28+$0x430]  }
0xcb: {  	v59 =	vld [tilespmem:s28+$0x8430]  }
0xcc: {  	v0 =	vmul.f32 v0, v1;
	v1 =	vmul.f32 v3, v2;
	v2 =	vld [tilespmem:s28+$0x440]  }
0xcd: {  	v3 =	vld [tilespmem:s28+$0x8440]  }
0xce: {  	v60 =	vld [tilespmem:s28+$0x450];
	v0 =	vadd.f32 v1, v0;
	v1 =	vmul.f32 v57, v56  }
0xcf: {  	v61 =	vld [tilespmem:s28+$0x8450]  }
0xd0: {  	v62 =	vld [tilespmem:s28+$0x460];
	v0 =	vadd.f32 v1, v0;
	v1 =	vmul.f32 v59, v58  }
0xd1: {  	v63 =	vld [tilespmem:s28+$0x8460]  }
0xd2: {  	v0 =	vadd.f32 v1, v0;
	v1 =	vmul.f32 v3, v2;
	v2 =	vld [tilespmem:s28+$0x470]  }
0xd3: {  	v3 =	vld [tilespmem:s28+$0x8470]  }
0xd4: {  	v0 =	vadd.f32 v1, v0;
	v1 =	vmul.f32 v61, v60;
	_ =	sdelay $0x1  }
0xd5: {  	v0 =	vadd.f32 v1, v0;
	v1 =	vmul.f32 v63, v62;
	_ =	sdelay $0x1  }
0xd6: {  	v0 =	vadd.f32 v1, v0;
	v1 =	vmul.f32 v3, v2;
	_ =	sdelay $0x1  }
0xd7: {  	v0 =	vadd.f32 v1, v0;
	_ =	sdelay $0x1  }
0xd8: {  	(xrf2) =	vadd.scan.msk.f32 $0xffff, v0;
	_ =	sdelay $0x9  }
0xd9: {  	s28 =	simm.s32 $0x10500;
	v0, _, _ =	vpop (xrf2)  }
0xda: {  	s30 =	simm.s32 $0x80;
	[tilespmem:s28+$0x0] =	vst.msk vm0, v0  }
0xdb: {  	v0 =	vld [tilespmem:s30+$0x8400]  }
0xdc: {  	v1 =	vld [tilespmem:s30+$0x400]  }
0xdd: {  	s29 =	simm.s32 $0x400;
	v2 =	vld [tilespmem:s30+$0x410]  }
.LBB2_6:
0xde: {  	p0 =	sne.s32 s29, $0xFE00;
	v3 =	vld [tilespmem:s30+$0x8410]  }
0xdf: {  	v4 =	vld [tilespmem:s30+$0x420]  }
0xe0: {  	v5 =	vld [tilespmem:s30+$0x8420]  }
0xe1: {  	v6 =	vld [tilespmem:s30+$0x430]  }
0xe2: {  	v7 =	vld [tilespmem:s30+$0x8430]  }
0xe3: {  	v0 =	vmul.f32 v0, v1;
	v1 =	vmul.f32 v3, v2;
	v2 =	vld [tilespmem:s30+$0x440]  }
0xe4: {  	v3 =	vld [tilespmem:s30+$0x8440]  }
0xe5: {  	v0 =	vadd.f32 v1, v0;
	v1 =	vmul.f32 v5, v4;
	v4 =	vld [tilespmem:s30+$0x450]  }
0xe6: {  	v5 =	vld [tilespmem:s30+$0x8450]  }
0xe7: {  	v0 =	vadd.f32 v1, v0;
	v1 =	vmul.f32 v7, v6;
	v6 =	vld [tilespmem:s30+$0x460]  }
0xe8: {  	v7 =	vld [tilespmem:s30+$0x8460]  }
0xe9: {  	v0 =	vadd.f32 v1, v0;
	v1 =	vmul.f32 v3, v2;
	v2 =	vld [tilespmem:s30+$0x470]  }
0xea: {  	v3 =	vld [tilespmem:s30+$0x8470]  }
0xeb: {  	v0 =	vadd.f32 v1, v0;
	v1 =	vmul.f32 v5, v4;
	_ =	sdelay $0x1  }
0xec: {  	v0 =	vadd.f32 v1, v0;
	v1 =	vmul.f32 v7, v6;
	_ =	sdelay $0x1  }
0xed: {  	v0 =	vadd.f32 v1, v0;
	v1 =	vmul.f32 v3, v2;
	_ =	sdelay $0x1  }
0xee: {  	v0 =	vadd.f32 v1, v0;
	_ =	sdelay $0x1  }
0xef: {  	(xrf2) =	vadd.scan.msk.f32 $0xffff, v0;
	_ =	sdelay $0x9  }
.Ltmp2:
0xf0: {  	s28 =	sadd.s32 $0x1, s28;
	v0, _, _ =	vpop (xrf2);
	(pc) =	sbr.rel @p0 .LBB2_6-.Ltmp2, $4  }
0xf1: {  	s30 =	sshra.s32 s29, $0x2;
	[tilespmem:s28+$0x0] =	vst.msk vm0, v0  }
0xf2: {  	v0 =	vld [tilespmem:s30+$0x8400]  }
0xf3: {  	v1 =	vld [tilespmem:s30+$0x400]  }
0xf4: {  	s29 =	sadd.s32 $0x200, s29;
	v2 =	vld [tilespmem:s30+$0x410]  }
0xf5: {  	v3 =	vld [tilespmem:s30+$0x8410]  }
0xf6: {  	v4 =	vld [tilespmem:s30+$0x420]  }
0xf7: {  	v5 =	vld [tilespmem:s30+$0x8420]  }
0xf8: {  	v6 =	vld [tilespmem:s30+$0x430]  }
0xf9: {  	v7 =	vld [tilespmem:s30+$0x8430]  }
0xfa: {  	v0 =	vmul.f32 v0, v1;
	v1 =	vmul.f32 v3, v2;
	v2 =	vld [tilespmem:s30+$0x440]  }
0xfb: {  	v3 =	vld [tilespmem:s30+$0x8440]  }
0xfc: {  	v52 =	vld [tilespmem:s30+$0x450];
	v0 =	vadd.f32 v1, v0;
	v1 =	vmul.f32 v5, v4  }
0xfd: {  	v53 =	vld [tilespmem:s30+$0x8450]  }
0xfe: {  	v54 =	vld [tilespmem:s30+$0x460];
	v0 =	vadd.f32 v1, v0;
	v1 =	vmul.f32 v7, v6  }
0xff: {  	v55 =	vld [tilespmem:s30+$0x8460]  }
0x100: {  	v0 =	vadd.f32 v1, v0;
	v1 =	vmul.f32 v3, v2;
	v2 =	vld [tilespmem:s30+$0x470]  }
0x101: {  	v3 =	vld [tilespmem:s30+$0x8470]  }
0x102: {  	v0 =	vadd.f32 v1, v0;
	v1 =	vmul.f32 v53, v52;
	_ =	sdelay $0x1  }
0x103: {  	v0 =	vadd.f32 v1, v0;
	v1 =	vmul.f32 v55, v54;
	_ =	sdelay $0x1  }
0x104: {  	v0 =	vadd.f32 v1, v0;
	v1 =	vmul.f32 v3, v2;
	_ =	sdelay $0x1  }
0x105: {  	v0 =	vadd.f32 v1, v0;
	_ =	sdelay $0x1  }
0x106: {  	(xrf2) =	vadd.scan.msk.f32 $0xffff, v0;
	_ =	sdelay $0x9  }
0x107: {  	s28 =	sadd.s32 $0x1, s28;
	v0, _, _ =	vpop (xrf2)  }
0x108: {  	[tilespmem:s28+$0x0] =	vst.msk vm0, v0  }
0x109: {  	_ =	swait.ge [sflag:s10], $0x4000  }
0x10a: {  	[sflag:s10] =	ssyncset.done $0x0  }
0x10b: {  	[sflag:s10] =	ssyncadd.s32 $0xFFFFC000  }
0x10c: {  	_ =	swait.ge [sflag:s11], $0x4000  }
0x10d: {  	[sflag:s11] =	ssyncset.done $0x0  }
0x10e: {  	s28 =	simm.s32 $0x0;
	[sflag:s11] =	ssyncadd.s32 $0xFFFFC000  }
0x10f: {  	v0 =	vld [tilespmem:s28+$0xC400]  }
0x110: {  	v1 =	vld [tilespmem:s28+$0x4400]  }
0x111: {  	v2 =	vld [tilespmem:s28+$0x4410]  }
0x112: {  	v3 =	vld [tilespmem:s28+$0xC410]  }
0x113: {  	v56 =	vld [tilespmem:s28+$0x4420]  }
0x114: {  	v57 =	vld [tilespmem:s28+$0xC420]  }
0x115: {  	v58 =	vld [tilespmem:s28+$0x4430]  }
0x116: {  	v59 =	vld [tilespmem:s28+$0xC430]  }
0x117: {  	v0 =	vmul.f32 v0, v1;
	v1 =	vmul.f32 v3, v2;
	v2 =	vld [tilespmem:s28+$0x4440]  }
0x118: {  	v3 =	vld [tilespmem:s28+$0xC440]  }
0x119: {  	v60 =	vld [tilespmem:s28+$0x4450];
	v0 =	vadd.f32 v1, v0;
	v1 =	vmul.f32 v57, v56  }
0x11a: {  	v61 =	vld [tilespmem:s28+$0xC450]  }
0x11b: {  	v62 =	vld [tilespmem:s28+$0x4460];
	v0 =	vadd.f32 v1, v0;
	v1 =	vmul.f32 v59, v58  }
0x11c: {  	v63 =	vld [tilespmem:s28+$0xC460]  }
0x11d: {  	v0 =	vadd.f32 v1, v0;
	v1 =	vmul.f32 v3, v2;
	v2 =	vld [tilespmem:s28+$0x4470]  }
0x11e: {  	v3 =	vld [tilespmem:s28+$0xC470]  }
0x11f: {  	v0 =	vadd.f32 v1, v0;
	v1 =	vmul.f32 v61, v60;
	_ =	sdelay $0x1  }
0x120: {  	v0 =	vadd.f32 v1, v0;
	v1 =	vmul.f32 v63, v62;
	_ =	sdelay $0x1  }
0x121: {  	v0 =	vadd.f32 v1, v0;
	v1 =	vmul.f32 v3, v2;
	_ =	sdelay $0x1  }
0x122: {  	v0 =	vadd.f32 v1, v0;
	_ =	sdelay $0x1  }
0x123: {  	(xrf2) =	vadd.scan.msk.f32 $0xffff, v0;
	_ =	sdelay $0x9  }
0x124: {  	s28 =	simm.s32 $0x10580;
	v0, _, _ =	vpop (xrf2)  }
0x125: {  	s30 =	simm.s32 $0x80;
	[tilespmem:s28+$0x0] =	vst.msk vm0, v0  }
0x126: {  	v0 =	vld [tilespmem:s30+$0xC400]  }
0x127: {  	v1 =	vld [tilespmem:s30+$0x4400]  }
0x128: {  	s29 =	simm.s32 $0x400;
	v2 =	vld [tilespmem:s30+$0x4410]  }
.LBB2_8:
0x129: {  	p0 =	sne.s32 s29, $0xFE00;
	v3 =	vld [tilespmem:s30+$0xC410]  }
0x12a: {  	v4 =	vld [tilespmem:s30+$0x4420]  }
0x12b: {  	v5 =	vld [tilespmem:s30+$0xC420]  }
0x12c: {  	v6 =	vld [tilespmem:s30+$0x4430]  }
0x12d: {  	v7 =	vld [tilespmem:s30+$0xC430]  }
0x12e: {  	v0 =	vmul.f32 v0, v1;
	v1 =	vmul.f32 v3, v2;
	v2 =	vld [tilespmem:s30+$0x4440]  }
0x12f: {  	v3 =	vld [tilespmem:s30+$0xC440]  }
0x130: {  	v0 =	vadd.f32 v1, v0;
	v1 =	vmul.f32 v5, v4;
	v4 =	vld [tilespmem:s30+$0x4450]  }
0x131: {  	v5 =	vld [tilespmem:s30+$0xC450]  }
0x132: {  	v0 =	vadd.f32 v1, v0;
	v1 =	vmul.f32 v7, v6;
	v6 =	vld [tilespmem:s30+$0x4460]  }
0x133: {  	v7 =	vld [tilespmem:s30+$0xC460]  }
0x134: {  	v0 =	vadd.f32 v1, v0;
	v1 =	vmul.f32 v3, v2;
	v2 =	vld [tilespmem:s30+$0x4470]  }
0x135: {  	v3 =	vld [tilespmem:s30+$0xC470]  }
0x136: {  	v0 =	vadd.f32 v1, v0;
	v1 =	vmul.f32 v5, v4;
	_ =	sdelay $0x1  }
0x137: {  	v0 =	vadd.f32 v1, v0;
	v1 =	vmul.f32 v7, v6;
	_ =	sdelay $0x1  }
0x138: {  	v0 =	vadd.f32 v1, v0;
	v1 =	vmul.f32 v3, v2;
	_ =	sdelay $0x1  }
0x139: {  	v0 =	vadd.f32 v1, v0;
	_ =	sdelay $0x1  }
0x13a: {  	(xrf2) =	vadd.scan.msk.f32 $0xffff, v0;
	_ =	sdelay $0x9  }
.Ltmp3:
0x13b: {  	s28 =	sadd.s32 $0x1, s28;
	v0, _, _ =	vpop (xrf2);
	(pc) =	sbr.rel @p0 .LBB2_8-.Ltmp3, $4  }
0x13c: {  	s30 =	sshra.s32 s29, $0x2;
	[tilespmem:s28+$0x0] =	vst.msk vm0, v0  }
0x13d: {  	v0 =	vld [tilespmem:s30+$0xC400]  }
0x13e: {  	v1 =	vld [tilespmem:s30+$0x4400]  }
0x13f: {  	s29 =	sadd.s32 $0x200, s29;
	v2 =	vld [tilespmem:s30+$0x4410]  }
0x140: {  	v3 =	vld [tilespmem:s30+$0xC410]  }
0x141: {  	v4 =	vld [tilespmem:s30+$0x4420]  }
0x142: {  	v5 =	vld [tilespmem:s30+$0xC420]  }
0x143: {  	v6 =	vld [tilespmem:s30+$0x4430]  }
0x144: {  	v7 =	vld [tilespmem:s30+$0xC430]  }
0x145: {  	v50 =	vld [tilespmem:s30+$0x4440];
	v0 =	vmul.f32 v0, v1;
	v49 =	vmul.f32 v3, v2  }
0x146: {  	v51 =	vld [tilespmem:s30+$0xC440]  }
0x147: {  	v53 =	vld [tilespmem:s30+$0x4450];
	v52 =	vmul.f32 v5, v4;
	v0 =	vadd.f32 v49, v0  }
0x148: {  	v54 =	vld [tilespmem:s30+$0xC450]  }
0x149: {  	v56 =	vld [tilespmem:s30+$0x4460];
	v55 =	vmul.f32 v7, v6;
	v0 =	vadd.f32 v52, v0  }
0x14a: {  	v57 =	vld [tilespmem:s30+$0xC460]  }
0x14b: {  	v59 =	vld [tilespmem:s30+$0x4470];
	v58 =	vmul.f32 v51, v50;
	v0 =	vadd.f32 v55, v0  }
0x14c: {  	v60 =	vld [tilespmem:s30+$0xC470]  }
0x14d: {  	v61 =	vmul.f32 v54, v53;
	v0 =	vadd.f32 v58, v0;
	_ =	sdelay $0x1  }
0x14e: {  	v62 =	vmul.f32 v57, v56;
	v0 =	vadd.f32 v61, v0;
	_ =	sdelay $0x1  }
0x14f: {  	v63 =	vmul.f32 v60, v59;
	v0 =	vadd.f32 v62, v0;
	_ =	sdelay $0x1  }
0x150: {  	v0 =	vadd.f32 v63, v0;
	_ =	sdelay $0x1  }
0x151: {  	(xrf2) =	vadd.scan.msk.f32 $0xffff, v0;
	_ =	sdelay $0x8  }
0x152: {  	s26 =	sadd.s32 $0x1, s26  }
0x153: {  	s28 =	sadd.s32 $0x1, s28;
	p0 =	sne.s32 s26, s8;
	v0, _, _ =	vpop (xrf2)  }
.Ltmp4:
0x154: {  	[tilespmem:s28+$0x0] =	vst.msk vm0, v0;
	(pc) =	sbr.rel @p0 .LBB2_1-.Ltmp4, $4  }
0x155: {  	[hbm4b:s7+s4] =	stream.linear.scatter [tilespmem:s24], [sflag:$0x5], $0x200, $0x38;
	[tilespmem:$0x10680] =	vst v63  }
0x156: {  	_ =	swait.ge [sflag:s25], $0x200  }
0x157: {  	[sflag:s25] =	ssyncset.done $0x0  }
0x158: {  	[sflag:s25] =	ssyncadd.s32 $0xFFFFFE00  }
0x159: {  	_ =	sfence.sel $0x180000  }
0x15a: {  	[bflag:$0x0] =	sbarrier.arrive $0xFFFF  }
0x15b: {  	p0 =	sne.s32 s3, $0x0;
	_ =	strace $0x90000047  }
0x15c: {  	s0 =	sadd.s32 @!p0 $0x100000, s0;
	[bflag:$0x2] =	sbarrier.arrive $0xFFFF  }
0x15d: {  	[sflag:s0] =	ssyncadd.tile.s32 @!p0 $0x1;
	_ =	shalt  }
.Lfunc_end2:
_tile_overlayer_lowered:
.L_overlay_start_2:
0x15e: {  	(tag) =	ssettag $0x2  }
0x15f: {  	s0 =	rddreg [dreg:$0x0];
	s2 =	stileid.u32  }
0x160: {  	s1 =	rddreg [dreg:$0x1];
	p0 =	sne.s32 s2, $0x0  }
0x161: {  	s3 =	rddreg [dreg:$0x2];
	[bflag:$0x3] =	sbarrier.arrive $0xFFFF;
	s2 =	simm.s32 @!p0 $0x1C05  }
0x162: {  	[timem:s3], [sflag:s2] =	dma.local @!p0 [hbm:s0], s1  }
0x163: {  	s0 =	simm.s32 @!p0 $0x5  }
0x164: {  	_ =	swait.ge @!p0 [sflag:s0], s1  }
0x165: {  	s1 =	ssub.s32 @!p0 $0x0, s1;
	[sflag:s0] =	ssyncset.done @!p0 $0x0  }
0x166: {  	[sflag:s0] =	ssyncadd.s32 @!p0 s1  }
0x167: {  	[bflag:$0x3] =	sbarrier.arrive $0xFFFF  }
0x168: {  	_ =	shalt  }

</sc_bundles>
